<compile_context>
chip_gen: v7x
topology: tpu7x:2x2x1
jax: 0.10.2.dev20260603
libtpu: 0.0.44.dev20260713+nightly
codegen_flags: <defaults>
</compile_context>

<pallas_src>
import functools

import jax
import jax.numpy as jnp
from jax import lax
from jax.experimental import pallas as pl
from jax.experimental.pallas import tpu as pltpu
from jax.experimental.pallas import tpu_sc as plsc

C = 64
NXY = 512
NPIX = NXY * NXY
NV = 40000
NV_PAD = 40960
NW = 32
PIX_PER_TILE = NPIX // NW
ROW_CHUNK = 8000
N_CHUNKS = NV // ROW_CHUNK
PIX_CHUNK = 8192
L = 16


def _transpose_body(x_ref, o_ref):
    o_ref[...] = x_ref[...].T


def _tc_transpose(vf_pad):
    blk = 4096
    return pl.pallas_call(
        _transpose_body,
        grid=(NV_PAD // blk,),
        in_specs=[pl.BlockSpec((blk, C), lambda i: (i, 0))],
        out_specs=pl.BlockSpec((C, blk), lambda i: (0, i)),
        out_shape=jax.ShapeDtypeStruct((C, NV_PAD), jnp.float32),
    )(vf_pad)


_mesh = plsc.VectorSubcoreMesh(core_axis_name="c", subcore_axis_name="s")


@functools.partial(
    pl.kernel,
    mesh=_mesh,
    out_type=jax.ShapeDtypeStruct((NPIX,), jnp.int32),
    scratch_types=[
        pltpu.VMEM((ROW_CHUNK * 3,), jnp.int32),
        pltpu.VMEM((PIX_PER_TILE,), jnp.int32),
    ],
    compiler_params=pltpu.CompilerParams(needs_layout_passes=False),
)
def _sc_winner(coors_hbm, w_hbm, coors_v, w_v):
    wid = lax.axis_index("s") * 2 + lax.axis_index("c")
    base = wid * PIX_PER_TILE
    iota = lax.iota(jnp.int32, L)
    posy = iota * 3 + 1
    posx = iota * 3 + 2
    neg1 = jnp.full((L,), -1, jnp.int32)

    def _init(i, carry):
        w_v[pl.ds(i * L, L)] = neg1
        return carry

    lax.fori_loop(0, PIX_PER_TILE // L, _init, 0)

    for ci in range(N_CHUNKS):
        pltpu.sync_copy(
            coors_hbm.at[pl.ds(ci * ROW_CHUNK * 3, ROW_CHUNK * 3)], coors_v
        )
        nbase = ci * ROW_CHUNK

        def _vreg(g, carry, nbase=nbase):
            b3 = g * (3 * L)
            y = plsc.load_gather(coors_v, [posy + b3])
            x = plsc.load_gather(coors_v, [posx + b3])
            local = y * NXY + x - base
            nvec = nbase + g * L + iota
            mask = (local >= 0) & (local < PIX_PER_TILE)

            def _cond(m):
                return jnp.max(m.astype(jnp.int32)) > 0

            def _body(m):
                plsc.store_scatter(w_v, [local], nvec, mask=m)
                got = plsc.load_gather(w_v, [local], mask=m)
                return m & (got < nvec)

            lax.while_loop(_cond, _body, mask)
            return carry

        lax.fori_loop(0, ROW_CHUNK // L, _vreg, 0)

    def _fix(i, carry):
        v = w_v[pl.ds(i * L, L)]
        w_v[pl.ds(i * L, L)] = jnp.where(v < 0, jnp.int32(NV), v)
        return carry

    lax.fori_loop(0, PIX_PER_TILE // L, _fix, 0)
    pltpu.sync_copy(w_v, w_hbm.at[pl.ds(base, PIX_PER_TILE)])


@functools.partial(
    pl.kernel,
    mesh=_mesh,
    out_type=jax.ShapeDtypeStruct((C, NPIX), jnp.float32),
    scratch_types=[
        pltpu.VMEM((NV_PAD,), jnp.float32),
        pltpu.VMEM((NV_PAD,), jnp.float32),
        pltpu.VMEM((PIX_CHUNK,), jnp.int32),
        pltpu.VMEM((PIX_CHUNK,), jnp.float32),
        pltpu.VMEM((PIX_CHUNK,), jnp.float32),
    ],
    compiler_params=pltpu.CompilerParams(needs_layout_passes=False),
)
def _sc_gather(vft_hbm, w_hbm, out_hbm, t0, t1, wv, o0, o1):
    wid = lax.axis_index("s") * 2 + lax.axis_index("c")
    c0 = wid * 2
    pltpu.sync_copy(vft_hbm.at[c0], t0)
    pltpu.sync_copy(vft_hbm.at[c0 + 1], t1)

    def _chunk(p, carry):
        pltpu.sync_copy(w_hbm.at[pl.ds(p * PIX_CHUNK, PIX_CHUNK)], wv)

        def _vreg(g, inner):
            wvec = wv[pl.ds(g * L, L)]
            o0[pl.ds(g * L, L)] = plsc.load_gather(t0, [wvec])
            o1[pl.ds(g * L, L)] = plsc.load_gather(t1, [wvec])
            return inner

        lax.fori_loop(0, PIX_CHUNK // L, _vreg, 0)
        pltpu.sync_copy(o0, out_hbm.at[c0, pl.ds(p * PIX_CHUNK, PIX_CHUNK)])
        pltpu.sync_copy(o1, out_hbm.at[c0 + 1, pl.ds(p * PIX_CHUNK, PIX_CHUNK)])
        return carry

    lax.fori_loop(0, NPIX // PIX_CHUNK, _chunk, 0)


def kernel(voxel_features, coors):
    vf_pad = jnp.pad(voxel_features, ((0, NV_PAD - NV), (0, 0)))
    vft = _tc_transpose(vf_pad)
    w = _sc_winner(coors.reshape(-1))
    canvas = _sc_gather(vft, w)
    return canvas.reshape(1, C, NXY, NXY)

# --- scband reference (transcript-rebuilt; emitter-appended) ---
"""Pipeline reference for scband-point-pillars-scatter-11888469475596 (READ-ONLY COPY).

The authoritative reference and input builder live on the scoring server;
editing this copy changes nothing except your own understanding.
"""

import jax, jax.numpy as jnp
import numpy as np

IN_CHANNELS = 64
NY = 512
NX = 512
N_VOXELS = 40000


def setup_inputs(seed: int = 0) -> dict:
    key = jax.random.key(seed)
    k1, k2 = jax.random.split(key)
    voxel_features = jax.random.normal(k1, (N_VOXELS, IN_CHANNELS), dtype=jnp.float32)
    coors = jax.random.randint(k2, (N_VOXELS, 3), 0, 512, dtype=jnp.int32)
    return {"voxel_features": voxel_features, "coors": coors}


def reference(voxel_features, coors):
    # forward_single path of PointPillarsScatter
    indices = coors[:, 1].astype(jnp.int32) * NX + coors[:, 2].astype(jnp.int32)
    voxels = voxel_features.T  # (C, N)
    canvas = jnp.zeros((IN_CHANNELS, NX * NY), dtype=voxel_features.dtype)
    canvas = canvas.at[:, indices].set(voxels)  # scatter-overwrite
    canvas = canvas.reshape(1, IN_CHANNELS, NY, NX)
    return canvas

if __name__ == "__main__":
    import jax
    _d = setup_inputs()
    print(jax.jit(kernel)(*tuple(_d.values())))

</pallas_src>

<mosaic_0001>
#map = affine_map<(d0, d1) -> (0, 0)>
#map1 = affine_map<(d0, d1) -> (0)>
module attributes {stable_mosaic.version = 14 : i64} {
  func.func @_sc_gather(%arg0: i32, %arg1: i32, %arg2: memref<64x40960xf32, #tpu.memory_space<hbm>>, %arg3: memref<262144xi32, #tpu.memory_space<hbm>>, %arg4: memref<64x262144xf32, #tpu.memory_space<hbm>>, %arg5: memref<40960xf32, #tpu.memory_space<vmem>>, %arg6: memref<40960xf32, #tpu.memory_space<vmem>>, %arg7: memref<8192xi32, #tpu.memory_space<vmem>>, %arg8: memref<8192xf32, #tpu.memory_space<vmem>>, %arg9: memref<8192xf32, #tpu.memory_space<vmem>>) attributes {dimension_semantics = [#tpu.dimension_semantics<core_parallel>, #tpu.dimension_semantics<subcore_parallel>], iteration_bounds = array<i64: 2, 16>, scalar_prefetch = 0 : i64, scratch_operands = 5 : i64, tpu.core_type = #tpu.core_type<sc_vector_subcore>, window_params = [{transform_indices = #map}, {transform_indices = #map1}, {transform_indices = #map}]} {
    %mul3A = arith.constant 2 : i32
    %mul3A_0 = arith.muli %arg1, %mul3A : i32
    %add3A = arith.addi %mul3A_0, %arg0 : i32
    %mul3A_1 = arith.constant 2 : i32
    %mul3A_2 = arith.muli %add3A, %mul3A_1 : i32
    "tpu.region"() ({
      %run_scoped3A = tpu.sem_alloc : memref<!tpu.dma_semaphore, #tpu.memory_space<semaphore_mem>>
      %dma_start3A = arith.constant 0 : i32
      %dma_start3A_10 = tpu.memref_slice %arg2[%mul3A_2, %dma_start3A] : memref<64x40960xf32, #tpu.memory_space<hbm>> -> memref<1x40960xf32, #tpu.memory_space<hbm>>
      %dma_start3A_11 = tpu.memref_squeeze %dma_start3A_10 : memref<1x40960xf32, #tpu.memory_space<hbm>> -> memref<40960xf32, #tpu.memory_space<hbm>>
      %dma_start3A_12 = arith.constant 0 : i32
      %dma_start3A_13 = tpu.memref_slice %arg2[%mul3A_2, %dma_start3A_12] : memref<64x40960xf32, #tpu.memory_space<hbm>> -> memref<1x40960xf32, #tpu.memory_space<hbm>>
      %dma_start3A_14 = tpu.memref_squeeze %dma_start3A_13 : memref<1x40960xf32, #tpu.memory_space<hbm>> -> memref<40960xf32, #tpu.memory_space<hbm>>
      tpu.enqueue_dma source(%dma_start3A_14 : memref<40960xf32, #tpu.memory_space<hbm>>) target(%arg5 : memref<40960xf32, #tpu.memory_space<vmem>>) target_semaphore(%run_scoped3A : memref<!tpu.dma_semaphore, #tpu.memory_space<semaphore_mem>>)
      %dma_wait3A = arith.constant 0 : i32
      %dma_wait3A_15 = tpu.memref_slice %arg2[%mul3A_2, %dma_wait3A] : memref<64x40960xf32, #tpu.memory_space<hbm>> -> memref<1x40960xf32, #tpu.memory_space<hbm>>
      %dma_wait3A_16 = tpu.memref_squeeze %dma_wait3A_15 : memref<1x40960xf32, #tpu.memory_space<hbm>> -> memref<40960xf32, #tpu.memory_space<hbm>>
      %dma_wait3A_17 = arith.constant 0 : i32
      %dma_wait3A_18 = tpu.memref_slice %arg2[%mul3A_2, %dma_wait3A_17] : memref<64x40960xf32, #tpu.memory_space<hbm>> -> memref<1x40960xf32, #tpu.memory_space<hbm>>
      %dma_wait3A_19 = tpu.memref_squeeze %dma_wait3A_18 : memref<1x40960xf32, #tpu.memory_space<hbm>> -> memref<40960xf32, #tpu.memory_space<hbm>>
      tpu.wait_dma2 semaphore(%run_scoped3A : memref<!tpu.dma_semaphore, #tpu.memory_space<semaphore_mem>>) src(%dma_wait3A_19 : memref<40960xf32, #tpu.memory_space<hbm>>) dst(%arg5 : memref<40960xf32, #tpu.memory_space<vmem>>)
      tpu.yield
    }) : () -> ()
    %add3A_3 = arith.constant 1 : i32
    %add3A_4 = arith.addi %mul3A_2, %add3A_3 : i32
    "tpu.region"() ({
      %run_scoped3A = tpu.sem_alloc : memref<!tpu.dma_semaphore, #tpu.memory_space<semaphore_mem>>
      %dma_start3A = arith.constant 0 : i32
      %dma_start3A_10 = tpu.memref_slice %arg2[%add3A_4, %dma_start3A] : memref<64x40960xf32, #tpu.memory_space<hbm>> -> memref<1x40960xf32, #tpu.memory_space<hbm>>
      %dma_start3A_11 = tpu.memref_squeeze %dma_start3A_10 : memref<1x40960xf32, #tpu.memory_space<hbm>> -> memref<40960xf32, #tpu.memory_space<hbm>>
      %dma_start3A_12 = arith.constant 0 : i32
      %dma_start3A_13 = tpu.memref_slice %arg2[%add3A_4, %dma_start3A_12] : memref<64x40960xf32, #tpu.memory_space<hbm>> -> memref<1x40960xf32, #tpu.memory_space<hbm>>
      %dma_start3A_14 = tpu.memref_squeeze %dma_start3A_13 : memref<1x40960xf32, #tpu.memory_space<hbm>> -> memref<40960xf32, #tpu.memory_space<hbm>>
      tpu.enqueue_dma source(%dma_start3A_14 : memref<40960xf32, #tpu.memory_space<hbm>>) target(%arg6 : memref<40960xf32, #tpu.memory_space<vmem>>) target_semaphore(%run_scoped3A : memref<!tpu.dma_semaphore, #tpu.memory_space<semaphore_mem>>)
      %dma_wait3A = arith.constant 0 : i32
      %dma_wait3A_15 = tpu.memref_slice %arg2[%add3A_4, %dma_wait3A] : memref<64x40960xf32, #tpu.memory_space<hbm>> -> memref<1x40960xf32, #tpu.memory_space<hbm>>
      %dma_wait3A_16 = tpu.memref_squeeze %dma_wait3A_15 : memref<1x40960xf32, #tpu.memory_space<hbm>> -> memref<40960xf32, #tpu.memory_space<hbm>>
      %dma_wait3A_17 = arith.constant 0 : i32
      %dma_wait3A_18 = tpu.memref_slice %arg2[%add3A_4, %dma_wait3A_17] : memref<64x40960xf32, #tpu.memory_space<hbm>> -> memref<1x40960xf32, #tpu.memory_space<hbm>>
      %dma_wait3A_19 = tpu.memref_squeeze %dma_wait3A_18 : memref<1x40960xf32, #tpu.memory_space<hbm>> -> memref<40960xf32, #tpu.memory_space<hbm>>
      tpu.wait_dma2 semaphore(%run_scoped3A : memref<!tpu.dma_semaphore, #tpu.memory_space<semaphore_mem>>) src(%dma_wait3A_19 : memref<40960xf32, #tpu.memory_space<hbm>>) dst(%arg6 : memref<40960xf32, #tpu.memory_space<vmem>>)
      tpu.yield
    }) : () -> ()
    %scan3A = arith.constant 0 : i32
    %scan3A_5 = arith.constant 0 : i32
    %scan3A_6 = arith.constant 32 : i32
    %scan3A_7 = arith.addi %scan3A_5, %scan3A_6 : i32
    %scan3A_8 = arith.constant 1 : i32
    scf.for %scan3A_10 = %scan3A_5 to %scan3A_7 step %scan3A_8  : i32 {
      %mul3A_11 = arith.constant 8192 : i32
      %mul3A_12 = arith.muli %scan3A_10, %mul3A_11 : i32
      "tpu.region"() ({
        %run_scoped3A = tpu.sem_alloc : memref<!tpu.dma_semaphore, #tpu.memory_space<semaphore_mem>>
        %dma_start3A = tpu.memref_slice %arg3[%mul3A_12] : memref<262144xi32, #tpu.memory_space<hbm>> -> memref<8192xi32, #tpu.memory_space<hbm>>
        %dma_start3A_25 = tpu.memref_slice %arg3[%mul3A_12] : memref<262144xi32, #tpu.memory_space<hbm>> -> memref<8192xi32, #tpu.memory_space<hbm>>
        tpu.enqueue_dma source(%dma_start3A_25 : memref<8192xi32, #tpu.memory_space<hbm>>) target(%arg7 : memref<8192xi32, #tpu.memory_space<vmem>>) target_semaphore(%run_scoped3A : memref<!tpu.dma_semaphore, #tpu.memory_space<semaphore_mem>>)
        %dma_wait3A = tpu.memref_slice %arg3[%mul3A_12] : memref<262144xi32, #tpu.memory_space<hbm>> -> memref<8192xi32, #tpu.memory_space<hbm>>
        %dma_wait3A_26 = tpu.memref_slice %arg3[%mul3A_12] : memref<262144xi32, #tpu.memory_space<hbm>> -> memref<8192xi32, #tpu.memory_space<hbm>>
        tpu.wait_dma2 semaphore(%run_scoped3A : memref<!tpu.dma_semaphore, #tpu.memory_space<semaphore_mem>>) src(%dma_wait3A_26 : memref<8192xi32, #tpu.memory_space<hbm>>) dst(%arg7 : memref<8192xi32, #tpu.memory_space<vmem>>)
        tpu.yield
      }) : () -> ()
      %scan3A_13 = arith.constant 0 : i32
      %scan3A_14 = arith.constant 0 : i32
      %scan3A_15 = arith.constant 512 : i32
      %scan3A_16 = arith.addi %scan3A_14, %scan3A_15 : i32
      %scan3A_17 = arith.constant 1 : i32
      scf.for %scan3A_25 = %scan3A_14 to %scan3A_16 step %scan3A_17  : i32 {
        %mul3A_26 = arith.constant 16 : i32
        %mul3A_27 = arith.muli %scan3A_25, %mul3A_26 : i32
        %get3A = arith.index_cast %mul3A_27 : i32 to index
        %get3A_28 = tpu.vector_load %arg7[%get3A] {strides = array<i32>} : memref<8192xi32, #tpu.memory_space<vmem>>, vector<16xi32>,
        %gather3A = tpu.vector_load_idx %arg5[%get3A_28] : memref<40960xf32, #tpu.memory_space<vmem>>[vector<16xi32>], vector<16xf32>,
        %mul3A_29 = arith.constant 16 : i32
        %mul3A_30 = arith.muli %scan3A_25, %mul3A_29 : i32
        %swap3A = arith.index_cast %mul3A_30 : i32 to index
        %swap3A_31 = tpu.vector_load %arg8[%swap3A] {strides = array<i32>} : memref<8192xf32, #tpu.memory_space<vmem>>, vector<16xf32>,
        tpu.vector_store %arg8[%swap3A], %gather3A {strides = array<i32>} : memref<8192xf32, #tpu.memory_space<vmem>>, vector<16xf32>,
        %gather3A_32 = tpu.vector_load_idx %arg6[%get3A_28] : memref<40960xf32, #tpu.memory_space<vmem>>[vector<16xi32>], vector<16xf32>,
        %mul3A_33 = arith.constant 16 : i32
        %mul3A_34 = arith.muli %scan3A_25, %mul3A_33 : i32
        %swap3A_35 = arith.index_cast %mul3A_34 : i32 to index
        %swap3A_36 = tpu.vector_load %arg9[%swap3A_35] {strides = array<i32>} : memref<8192xf32, #tpu.memory_space<vmem>>, vector<16xf32>,
        tpu.vector_store %arg9[%swap3A_35], %gather3A_32 {strides = array<i32>} : memref<8192xf32, #tpu.memory_space<vmem>>, vector<16xf32>,
      }
      %scan3A_18 = arith.constant 512 : i32
      %mul3A_19 = arith.constant 8192 : i32
      %mul3A_20 = arith.muli %scan3A_10, %mul3A_19 : i32
      "tpu.region"() ({
        %run_scoped3A = tpu.sem_alloc : memref<!tpu.dma_semaphore, #tpu.memory_space<semaphore_mem>>
        %dma_start3A = tpu.memref_slice %arg4[%mul3A_2, %mul3A_20] : memref<64x262144xf32, #tpu.memory_space<hbm>> -> memref<1x8192xf32, #tpu.memory_space<hbm>>
        %dma_start3A_25 = tpu.memref_squeeze %dma_start3A : memref<1x8192xf32, #tpu.memory_space<hbm>> -> memref<8192xf32, #tpu.memory_space<hbm>>
        %dma_start3A_26 = tpu.memref_slice %arg4[%mul3A_2, %mul3A_20] : memref<64x262144xf32, #tpu.memory_space<hbm>> -> memref<1x8192xf32, #tpu.memory_space<hbm>>
        %dma_start3A_27 = tpu.memref_squeeze %dma_start3A_26 : memref<1x8192xf32, #tpu.memory_space<hbm>> -> memref<8192xf32, #tpu.memory_space<hbm>>
        tpu.enqueue_dma source(%arg8 : memref<8192xf32, #tpu.memory_space<vmem>>) target(%dma_start3A_27 : memref<8192xf32, #tpu.memory_space<hbm>>) target_semaphore(%run_scoped3A : memref<!tpu.dma_semaphore, #tpu.memory_space<semaphore_mem>>)
        %dma_wait3A = tpu.memref_slice %arg4[%mul3A_2, %mul3A_20] : memref<64x262144xf32, #tpu.memory_space<hbm>> -> memref<1x8192xf32, #tpu.memory_space<hbm>>
        %dma_wait3A_28 = tpu.memref_squeeze %dma_wait3A : memref<1x8192xf32, #tpu.memory_space<hbm>> -> memref<8192xf32, #tpu.memory_space<hbm>>
        %dma_wait3A_29 = tpu.memref_slice %arg4[%mul3A_2, %mul3A_20] : memref<64x262144xf32, #tpu.memory_space<hbm>> -> memref<1x8192xf32, #tpu.memory_space<hbm>>
        %dma_wait3A_30 = tpu.memref_squeeze %dma_wait3A_29 : memref<1x8192xf32, #tpu.memory_space<hbm>> -> memref<8192xf32, #tpu.memory_space<hbm>>
        tpu.wait_dma2 semaphore(%run_scoped3A : memref<!tpu.dma_semaphore, #tpu.memory_space<semaphore_mem>>) src(%arg8 : memref<8192xf32, #tpu.memory_space<vmem>>) dst(%dma_wait3A_30 : memref<8192xf32, #tpu.memory_space<hbm>>)
        tpu.yield
      }) : () -> ()
      %add3A_21 = arith.constant 1 : i32
      %add3A_22 = arith.addi %mul3A_2, %add3A_21 : i32
      %mul3A_23 = arith.constant 8192 : i32
      %mul3A_24 = arith.muli %scan3A_10, %mul3A_23 : i32
      "tpu.region"() ({
        %run_scoped3A = tpu.sem_alloc : memref<!tpu.dma_semaphore, #tpu.memory_space<semaphore_mem>>
        %dma_start3A = tpu.memref_slice %arg4[%add3A_22, %mul3A_24] : memref<64x262144xf32, #tpu.memory_space<hbm>> -> memref<1x8192xf32, #tpu.memory_space<hbm>>
        %dma_start3A_25 = tpu.memref_squeeze %dma_start3A : memref<1x8192xf32, #tpu.memory_space<hbm>> -> memref<8192xf32, #tpu.memory_space<hbm>>
        %dma_start3A_26 = tpu.memref_slice %arg4[%add3A_22, %mul3A_24] : memref<64x262144xf32, #tpu.memory_space<hbm>> -> memref<1x8192xf32, #tpu.memory_space<hbm>>
        %dma_start3A_27 = tpu.memref_squeeze %dma_start3A_26 : memref<1x8192xf32, #tpu.memory_space<hbm>> -> memref<8192xf32, #tpu.memory_space<hbm>>
        tpu.enqueue_dma source(%arg9 : memref<8192xf32, #tpu.memory_space<vmem>>) target(%dma_start3A_27 : memref<8192xf32, #tpu.memory_space<hbm>>) target_semaphore(%run_scoped3A : memref<!tpu.dma_semaphore, #tpu.memory_space<semaphore_mem>>)
        %dma_wait3A = tpu.memref_slice %arg4[%add3A_22, %mul3A_24] : memref<64x262144xf32, #tpu.memory_space<hbm>> -> memref<1x8192xf32, #tpu.memory_space<hbm>>
        %dma_wait3A_28 = tpu.memref_squeeze %dma_wait3A : memref<1x8192xf32, #tpu.memory_space<hbm>> -> memref<8192xf32, #tpu.memory_space<hbm>>
        %dma_wait3A_29 = tpu.memref_slice %arg4[%add3A_22, %mul3A_24] : memref<64x262144xf32, #tpu.memory_space<hbm>> -> memref<1x8192xf32, #tpu.memory_space<hbm>>
        %dma_wait3A_30 = tpu.memref_squeeze %dma_wait3A_29 : memref<1x8192xf32, #tpu.memory_space<hbm>> -> memref<8192xf32, #tpu.memory_space<hbm>>
        tpu.wait_dma2 semaphore(%run_scoped3A : memref<!tpu.dma_semaphore, #tpu.memory_space<semaphore_mem>>) src(%arg9 : memref<8192xf32, #tpu.memory_space<vmem>>) dst(%dma_wait3A_30 : memref<8192xf32, #tpu.memory_space<hbm>>)
        tpu.yield
      }) : () -> ()
    }
    %scan3A_9 = arith.constant 32 : i32
    return
  }
}

#map = affine_map<(d0, d1) -> (0)>
module attributes {stable_mosaic.version = 14 : i64} {
  func.func @_sc_winner(%arg0: i32, %arg1: i32, %arg2: memref<120000xi32, #tpu.memory_space<hbm>>, %arg3: memref<262144xi32, #tpu.memory_space<hbm>>, %arg4: memref<24000xi32, #tpu.memory_space<vmem>>, %arg5: memref<8192xi32, #tpu.memory_space<vmem>>) attributes {dimension_semantics = [#tpu.dimension_semantics<core_parallel>, #tpu.dimension_semantics<subcore_parallel>], iteration_bounds = array<i64: 2, 16>, scalar_prefetch = 0 : i64, scratch_operands = 2 : i64, tpu.core_type = #tpu.core_type<sc_vector_subcore>, window_params = [{transform_indices = #map}, {transform_indices = #map}]} {
    %mul3A = arith.constant 2 : i32
    %mul3A_0 = arith.muli %arg1, %mul3A : i32
    %add3A = arith.addi %mul3A_0, %arg0 : i32
    %mul3A_1 = arith.constant 8192 : i32
    %mul3A_2 = arith.muli %add3A, %mul3A_1 : i32
    %iota3A = tpu.iota {dimensions = array<i32: 0>} : vector<16xi32>
    %mul3A_3 = arith.constant 3 : i32
    %mul3A_4 = vector.broadcast %mul3A_3 : i32 to vector<16xi32>
    %mul3A_5 = arith.muli %iota3A, %mul3A_4 : vector<16xi32>
    %add3A_6 = arith.constant 1 : i32
    %add3A_7 = vector.broadcast %add3A_6 : i32 to vector<16xi32>
    %add3A_8 = arith.addi %mul3A_5, %add3A_7 : vector<16xi32>
    %mul3A_9 = arith.constant 3 : i32
    %mul3A_10 = vector.broadcast %mul3A_9 : i32 to vector<16xi32>
    %mul3A_11 = arith.muli %iota3A, %mul3A_10 : vector<16xi32>
    %add3A_12 = arith.constant 2 : i32
    %add3A_13 = vector.broadcast %add3A_12 : i32 to vector<16xi32>
    %add3A_14 = arith.addi %mul3A_11, %add3A_13 : vector<16xi32>
    %broadcast_in_dim3A = arith.constant -1 : i32
    %broadcast_in_dim3A_15 = vector.broadcast %broadcast_in_dim3A : i32 to vector<16xi32>
    %scan3A = arith.constant 0 : i32
    %scan3A_16 = arith.constant 0 : i32
    %scan3A_17 = arith.constant 512 : i32
    %scan3A_18 = arith.addi %scan3A_16, %scan3A_17 : i32
    %scan3A_19 = arith.constant 1 : i32
    scf.for %scan3A_57 = %scan3A_16 to %scan3A_18 step %scan3A_19  : i32 {
      %mul3A_58 = arith.constant 16 : i32
      %mul3A_59 = arith.muli %scan3A_57, %mul3A_58 : i32
      %swap3A = arith.index_cast %mul3A_59 : i32 to index
      %swap3A_60 = tpu.vector_load %arg5[%swap3A] {strides = array<i32>} : memref<8192xi32, #tpu.memory_space<vmem>>, vector<16xi32>,
      tpu.vector_store %arg5[%swap3A], %broadcast_in_dim3A_15 {strides = array<i32>} : memref<8192xi32, #tpu.memory_space<vmem>>, vector<16xi32>,
    }
    %scan3A_20 = arith.constant 512 : i32
    "tpu.region"() ({
      %run_scoped3A = tpu.sem_alloc : memref<!tpu.dma_semaphore, #tpu.memory_space<semaphore_mem>>
      %dma_start3A = arith.constant 0 : i32
      %dma_start3A_57 = tpu.memref_slice %arg2[%dma_start3A] : memref<120000xi32, #tpu.memory_space<hbm>> -> memref<24000xi32, #tpu.memory_space<hbm>>
      %dma_start3A_58 = arith.constant 0 : i32
      %dma_start3A_59 = tpu.memref_slice %arg2[%dma_start3A_58] : memref<120000xi32, #tpu.memory_space<hbm>> -> memref<24000xi32, #tpu.memory_space<hbm>>
      tpu.enqueue_dma source(%dma_start3A_59 : memref<24000xi32, #tpu.memory_space<hbm>>) target(%arg4 : memref<24000xi32, #tpu.memory_space<vmem>>) target_semaphore(%run_scoped3A : memref<!tpu.dma_semaphore, #tpu.memory_space<semaphore_mem>>)
      %dma_wait3A = arith.constant 0 : i32
      %dma_wait3A_60 = tpu.memref_slice %arg2[%dma_wait3A] : memref<120000xi32, #tpu.memory_space<hbm>> -> memref<24000xi32, #tpu.memory_space<hbm>>
      %dma_wait3A_61 = arith.constant 0 : i32
      %dma_wait3A_62 = tpu.memref_slice %arg2[%dma_wait3A_61] : memref<120000xi32, #tpu.memory_space<hbm>> -> memref<24000xi32, #tpu.memory_space<hbm>>
      tpu.wait_dma2 semaphore(%run_scoped3A : memref<!tpu.dma_semaphore, #tpu.memory_space<semaphore_mem>>) src(%dma_wait3A_62 : memref<24000xi32, #tpu.memory_space<hbm>>) dst(%arg4 : memref<24000xi32, #tpu.memory_space<vmem>>)
      tpu.yield
    }) : () -> ()
    %scan3A_21 = arith.constant 0 : i32
    %scan3A_22 = arith.constant 0 : i32
    %scan3A_23 = arith.constant 500 : i32
    %scan3A_24 = arith.addi %scan3A_22, %scan3A_23 : i32
    %scan3A_25 = arith.constant 1 : i32
    scf.for %scan3A_57 = %scan3A_22 to %scan3A_24 step %scan3A_25  : i32 {
      %mul3A_58 = arith.constant 48 : i32
      %mul3A_59 = arith.muli %scan3A_57, %mul3A_58 : i32
      %add3A_60 = vector.broadcast %mul3A_59 : i32 to vector<16xi32>
      %add3A_61 = arith.addi %add3A_8, %add3A_60 : vector<16xi32>
      %gather3A = tpu.vector_load_idx %arg4[%add3A_61] : memref<24000xi32, #tpu.memory_space<vmem>>[vector<16xi32>], vector<16xi32>,
      %add3A_62 = vector.broadcast %mul3A_59 : i32 to vector<16xi32>
      %add3A_63 = arith.addi %add3A_14, %add3A_62 : vector<16xi32>
      %gather3A_64 = tpu.vector_load_idx %arg4[%add3A_63] : memref<24000xi32, #tpu.memory_space<vmem>>[vector<16xi32>], vector<16xi32>,
      %mul3A_65 = arith.constant 512 : i32
      %mul3A_66 = vector.broadcast %mul3A_65 : i32 to vector<16xi32>
      %mul3A_67 = arith.muli %gather3A, %mul3A_66 : vector<16xi32>
      %add3A_68 = arith.addi %mul3A_67, %gather3A_64 : vector<16xi32>
      %sub3A = vector.broadcast %mul3A_2 : i32 to vector<16xi32>
      %sub3A_69 = arith.subi %add3A_68, %sub3A : vector<16xi32>
      %mul3A_70 = arith.constant 16 : i32
      %mul3A_71 = arith.muli %scan3A_57, %mul3A_70 : i32
      %add3A_72 = arith.constant 0 : i32
      %add3A_73 = arith.addi %add3A_72, %mul3A_71 : i32
      %add3A_74 = vector.broadcast %add3A_73 : i32 to vector<16xi32>
      %add3A_75 = arith.addi %add3A_74, %iota3A : vector<16xi32>
      %ge3A = arith.constant 0 : i32
      %ge3A_76 = vector.broadcast %ge3A : i32 to vector<16xi32>
      %ge3A_77 = arith.cmpi sge, %sub3A_69, %ge3A_76 : vector<16xi32>
      %lt3A = arith.constant 8192 : i32
      %lt3A_78 = vector.broadcast %lt3A : i32 to vector<16xi32>
      %lt3A_79 = arith.cmpi slt, %sub3A_69, %lt3A_78 : vector<16xi32>
      %and3A = arith.andi %ge3A_77, %lt3A_79 : vector<16xi1>
      %while3A = scf.while (%while3A_80 = %and3A) : (vector<16xi1>) -> vector<16xi1> {
        %convert_element_type3A = arith.extui %while3A_80 : vector<16xi1> to vector<16xi32>
        %reduce_max3A = arith.constant true
        %reduce_max3A_81 = vector.broadcast %reduce_max3A : i1 to vector<16xi1>
        %reduce_max3A_82 = arith.constant -2147483648 : i32
        %reduce_max3A_83 = vector.broadcast %reduce_max3A_82 : i32 to vector<16xi32>
        %reduce_max3A_84 = arith.xori %convert_element_type3A, %reduce_max3A_83 : vector<16xi32>
        %reduce_max3A_85 = tpu.scan <max>, %reduce_max3A_84 masked %reduce_max3A_81 : vector<16xi32>, vector<16xi1> -> vector<16xi32>
        %reduce_max3A_86 = arith.xori %reduce_max3A_85, %reduce_max3A_83 : vector<16xi32>
        %reduce_max3A_87 = vector.extract %reduce_max3A_86[15] : i32 from vector<16xi32>
        %gt3A = arith.constant 0 : i32
        %gt3A_88 = arith.cmpi sgt, %reduce_max3A_87, %gt3A : i32
        scf.condition(%gt3A_88) %while3A_80 : vector<16xi1>
      } do {
      ^bb0(%while3A_80: vector<16xi1>):
        tpu.vector_store_idx %arg5[%sub3A_69], %add3A_75 masked %while3A_80 : memref<8192xi32, #tpu.memory_space<vmem>>[vector<16xi32>], vector<16xi32>, vector<16xi1>
        %gather3A_81 = tpu.vector_load_idx %arg5[%sub3A_69] masked %while3A_80 : memref<8192xi32, #tpu.memory_space<vmem>>[vector<16xi32>], vector<16xi32>, vector<16xi1>
        %lt3A_82 = arith.cmpi slt, %gather3A_81, %add3A_75 : vector<16xi32>
        %and3A_83 = arith.andi %while3A_80, %lt3A_82 : vector<16xi1>
        scf.yield %and3A_83 : vector<16xi1>
      }
    }
    %scan3A_26 = arith.constant 500 : i32
    "tpu.region"() ({
      %run_scoped3A = tpu.sem_alloc : memref<!tpu.dma_semaphore, #tpu.memory_space<semaphore_mem>>
      %dma_start3A = arith.constant 24000 : i32
      %dma_start3A_57 = tpu.memref_slice %arg2[%dma_start3A] : memref<120000xi32, #tpu.memory_space<hbm>> -> memref<24000xi32, #tpu.memory_space<hbm>>
      %dma_start3A_58 = arith.constant 24000 : i32
      %dma_start3A_59 = tpu.memref_slice %arg2[%dma_start3A_58] : memref<120000xi32, #tpu.memory_space<hbm>> -> memref<24000xi32, #tpu.memory_space<hbm>>
      tpu.enqueue_dma source(%dma_start3A_59 : memref<24000xi32, #tpu.memory_space<hbm>>) target(%arg4 : memref<24000xi32, #tpu.memory_space<vmem>>) target_semaphore(%run_scoped3A : memref<!tpu.dma_semaphore, #tpu.memory_space<semaphore_mem>>)
      %dma_wait3A = arith.constant 24000 : i32
      %dma_wait3A_60 = tpu.memref_slice %arg2[%dma_wait3A] : memref<120000xi32, #tpu.memory_space<hbm>> -> memref<24000xi32, #tpu.memory_space<hbm>>
      %dma_wait3A_61 = arith.constant 24000 : i32
      %dma_wait3A_62 = tpu.memref_slice %arg2[%dma_wait3A_61] : memref<120000xi32, #tpu.memory_space<hbm>> -> memref<24000xi32, #tpu.memory_space<hbm>>
      tpu.wait_dma2 semaphore(%run_scoped3A : memref<!tpu.dma_semaphore, #tpu.memory_space<semaphore_mem>>) src(%dma_wait3A_62 : memref<24000xi32, #tpu.memory_space<hbm>>) dst(%arg4 : memref<24000xi32, #tpu.memory_space<vmem>>)
      tpu.yield
    }) : () -> ()
    %scan3A_27 = arith.constant 0 : i32
    %scan3A_28 = arith.constant 0 : i32
    %scan3A_29 = arith.constant 500 : i32
    %scan3A_30 = arith.addi %scan3A_28, %scan3A_29 : i32
    %scan3A_31 = arith.constant 1 : i32
    scf.for %scan3A_57 = %scan3A_28 to %scan3A_30 step %scan3A_31  : i32 {
      %mul3A_58 = arith.constant 48 : i32
      %mul3A_59 = arith.muli %scan3A_57, %mul3A_58 : i32
      %add3A_60 = vector.broadcast %mul3A_59 : i32 to vector<16xi32>
      %add3A_61 = arith.addi %add3A_8, %add3A_60 : vector<16xi32>
      %gather3A = tpu.vector_load_idx %arg4[%add3A_61] : memref<24000xi32, #tpu.memory_space<vmem>>[vector<16xi32>], vector<16xi32>,
      %add3A_62 = vector.broadcast %mul3A_59 : i32 to vector<16xi32>
      %add3A_63 = arith.addi %add3A_14, %add3A_62 : vector<16xi32>
      %gather3A_64 = tpu.vector_load_idx %arg4[%add3A_63] : memref<24000xi32, #tpu.memory_space<vmem>>[vector<16xi32>], vector<16xi32>,
      %mul3A_65 = arith.constant 512 : i32
      %mul3A_66 = vector.broadcast %mul3A_65 : i32 to vector<16xi32>
      %mul3A_67 = arith.muli %gather3A, %mul3A_66 : vector<16xi32>
      %add3A_68 = arith.addi %mul3A_67, %gather3A_64 : vector<16xi32>
      %sub3A = vector.broadcast %mul3A_2 : i32 to vector<16xi32>
      %sub3A_69 = arith.subi %add3A_68, %sub3A : vector<16xi32>
      %mul3A_70 = arith.constant 16 : i32
      %mul3A_71 = arith.muli %scan3A_57, %mul3A_70 : i32
      %add3A_72 = arith.constant 8000 : i32
      %add3A_73 = arith.addi %add3A_72, %mul3A_71 : i32
      %add3A_74 = vector.broadcast %add3A_73 : i32 to vector<16xi32>
      %add3A_75 = arith.addi %add3A_74, %iota3A : vector<16xi32>
      %ge3A = arith.constant 0 : i32
      %ge3A_76 = vector.broadcast %ge3A : i32 to vector<16xi32>
      %ge3A_77 = arith.cmpi sge, %sub3A_69, %ge3A_76 : vector<16xi32>
      %lt3A = arith.constant 8192 : i32
      %lt3A_78 = vector.broadcast %lt3A : i32 to vector<16xi32>
      %lt3A_79 = arith.cmpi slt, %sub3A_69, %lt3A_78 : vector<16xi32>
      %and3A = arith.andi %ge3A_77, %lt3A_79 : vector<16xi1>
      %while3A = scf.while (%while3A_80 = %and3A) : (vector<16xi1>) -> vector<16xi1> {
        %convert_element_type3A = arith.extui %while3A_80 : vector<16xi1> to vector<16xi32>
        %reduce_max3A = arith.constant true
        %reduce_max3A_81 = vector.broadcast %reduce_max3A : i1 to vector<16xi1>
        %reduce_max3A_82 = arith.constant -2147483648 : i32
        %reduce_max3A_83 = vector.broadcast %reduce_max3A_82 : i32 to vector<16xi32>
        %reduce_max3A_84 = arith.xori %convert_element_type3A, %reduce_max3A_83 : vector<16xi32>
        %reduce_max3A_85 = tpu.scan <max>, %reduce_max3A_84 masked %reduce_max3A_81 : vector<16xi32>, vector<16xi1> -> vector<16xi32>
        %reduce_max3A_86 = arith.xori %reduce_max3A_85, %reduce_max3A_83 : vector<16xi32>
        %reduce_max3A_87 = vector.extract %reduce_max3A_86[15] : i32 from vector<16xi32>
        %gt3A = arith.constant 0 : i32
        %gt3A_88 = arith.cmpi sgt, %reduce_max3A_87, %gt3A : i32
        scf.condition(%gt3A_88) %while3A_80 : vector<16xi1>
      } do {
      ^bb0(%while3A_80: vector<16xi1>):
        tpu.vector_store_idx %arg5[%sub3A_69], %add3A_75 masked %while3A_80 : memref<8192xi32, #tpu.memory_space<vmem>>[vector<16xi32>], vector<16xi32>, vector<16xi1>
        %gather3A_81 = tpu.vector_load_idx %arg5[%sub3A_69] masked %while3A_80 : memref<8192xi32, #tpu.memory_space<vmem>>[vector<16xi32>], vector<16xi32>, vector<16xi1>
        %lt3A_82 = arith.cmpi slt, %gather3A_81, %add3A_75 : vector<16xi32>
        %and3A_83 = arith.andi %while3A_80, %lt3A_82 : vector<16xi1>
        scf.yield %and3A_83 : vector<16xi1>
      }
    }
    %scan3A_32 = arith.constant 500 : i32
    "tpu.region"() ({
      %run_scoped3A = tpu.sem_alloc : memref<!tpu.dma_semaphore, #tpu.memory_space<semaphore_mem>>
      %dma_start3A = arith.constant 48000 : i32
      %dma_start3A_57 = tpu.memref_slice %arg2[%dma_start3A] : memref<120000xi32, #tpu.memory_space<hbm>> -> memref<24000xi32, #tpu.memory_space<hbm>>
      %dma_start3A_58 = arith.constant 48000 : i32
      %dma_start3A_59 = tpu.memref_slice %arg2[%dma_start3A_58] : memref<120000xi32, #tpu.memory_space<hbm>> -> memref<24000xi32, #tpu.memory_space<hbm>>
      tpu.enqueue_dma source(%dma_start3A_59 : memref<24000xi32, #tpu.memory_space<hbm>>) target(%arg4 : memref<24000xi32, #tpu.memory_space<vmem>>) target_semaphore(%run_scoped3A : memref<!tpu.dma_semaphore, #tpu.memory_space<semaphore_mem>>)
      %dma_wait3A = arith.constant 48000 : i32
      %dma_wait3A_60 = tpu.memref_slice %arg2[%dma_wait3A] : memref<120000xi32, #tpu.memory_space<hbm>> -> memref<24000xi32, #tpu.memory_space<hbm>>
      %dma_wait3A_61 = arith.constant 48000 : i32
      %dma_wait3A_62 = tpu.memref_slice %arg2[%dma_wait3A_61] : memref<120000xi32, #tpu.memory_space<hbm>> -> memref<24000xi32, #tpu.memory_space<hbm>>
      tpu.wait_dma2 semaphore(%run_scoped3A : memref<!tpu.dma_semaphore, #tpu.memory_space<semaphore_mem>>) src(%dma_wait3A_62 : memref<24000xi32, #tpu.memory_space<hbm>>) dst(%arg4 : memref<24000xi32, #tpu.memory_space<vmem>>)
      tpu.yield
    }) : () -> ()
    %scan3A_33 = arith.constant 0 : i32
    %scan3A_34 = arith.constant 0 : i32
    %scan3A_35 = arith.constant 500 : i32
    %scan3A_36 = arith.addi %scan3A_34, %scan3A_35 : i32
    %scan3A_37 = arith.constant 1 : i32
    scf.for %scan3A_57 = %scan3A_34 to %scan3A_36 step %scan3A_37  : i32 {
      %mul3A_58 = arith.constant 48 : i32
      %mul3A_59 = arith.muli %scan3A_57, %mul3A_58 : i32
      %add3A_60 = vector.broadcast %mul3A_59 : i32 to vector<16xi32>
      %add3A_61 = arith.addi %add3A_8, %add3A_60 : vector<16xi32>
      %gather3A = tpu.vector_load_idx %arg4[%add3A_61] : memref<24000xi32, #tpu.memory_space<vmem>>[vector<16xi32>], vector<16xi32>,
      %add3A_62 = vector.broadcast %mul3A_59 : i32 to vector<16xi32>
      %add3A_63 = arith.addi %add3A_14, %add3A_62 : vector<16xi32>
      %gather3A_64 = tpu.vector_load_idx %arg4[%add3A_63] : memref<24000xi32, #tpu.memory_space<vmem>>[vector<16xi32>], vector<16xi32>,
      %mul3A_65 = arith.constant 512 : i32
      %mul3A_66 = vector.broadcast %mul3A_65 : i32 to vector<16xi32>
      %mul3A_67 = arith.muli %gather3A, %mul3A_66 : vector<16xi32>
      %add3A_68 = arith.addi %mul3A_67, %gather3A_64 : vector<16xi32>
      %sub3A = vector.broadcast %mul3A_2 : i32 to vector<16xi32>
      %sub3A_69 = arith.subi %add3A_68, %sub3A : vector<16xi32>
      %mul3A_70 = arith.constant 16 : i32
      %mul3A_71 = arith.muli %scan3A_57, %mul3A_70 : i32
      %add3A_72 = arith.constant 16000 : i32
      %add3A_73 = arith.addi %add3A_72, %mul3A_71 : i32
      %add3A_74 = vector.broadcast %add3A_73 : i32 to vector<16xi32>
      %add3A_75 = arith.addi %add3A_74, %iota3A : vector<16xi32>
      %ge3A = arith.constant 0 : i32
      %ge3A_76 = vector.broadcast %ge3A : i32 to vector<16xi32>
      %ge3A_77 = arith.cmpi sge, %sub3A_69, %ge3A_76 : vector<16xi32>
      %lt3A = arith.constant 8192 : i32
      %lt3A_78 = vector.broadcast %lt3A : i32 to vector<16xi32>
      %lt3A_79 = arith.cmpi slt, %sub3A_69, %lt3A_78 : vector<16xi32>
      %and3A = arith.andi %ge3A_77, %lt3A_79 : vector<16xi1>
      %while3A = scf.while (%while3A_80 = %and3A) : (vector<16xi1>) -> vector<16xi1> {
        %convert_element_type3A = arith.extui %while3A_80 : vector<16xi1> to vector<16xi32>
        %reduce_max3A = arith.constant true
        %reduce_max3A_81 = vector.broadcast %reduce_max3A : i1 to vector<16xi1>
        %reduce_max3A_82 = arith.constant -2147483648 : i32
        %reduce_max3A_83 = vector.broadcast %reduce_max3A_82 : i32 to vector<16xi32>
        %reduce_max3A_84 = arith.xori %convert_element_type3A, %reduce_max3A_83 : vector<16xi32>
        %reduce_max3A_85 = tpu.scan <max>, %reduce_max3A_84 masked %reduce_max3A_81 : vector<16xi32>, vector<16xi1> -> vector<16xi32>
        %reduce_max3A_86 = arith.xori %reduce_max3A_85, %reduce_max3A_83 : vector<16xi32>
        %reduce_max3A_87 = vector.extract %reduce_max3A_86[15] : i32 from vector<16xi32>
        %gt3A = arith.constant 0 : i32
        %gt3A_88 = arith.cmpi sgt, %reduce_max3A_87, %gt3A : i32
        scf.condition(%gt3A_88) %while3A_80 : vector<16xi1>
      } do {
      ^bb0(%while3A_80: vector<16xi1>):
        tpu.vector_store_idx %arg5[%sub3A_69], %add3A_75 masked %while3A_80 : memref<8192xi32, #tpu.memory_space<vmem>>[vector<16xi32>], vector<16xi32>, vector<16xi1>
        %gather3A_81 = tpu.vector_load_idx %arg5[%sub3A_69] masked %while3A_80 : memref<8192xi32, #tpu.memory_space<vmem>>[vector<16xi32>], vector<16xi32>, vector<16xi1>
        %lt3A_82 = arith.cmpi slt, %gather3A_81, %add3A_75 : vector<16xi32>
        %and3A_83 = arith.andi %while3A_80, %lt3A_82 : vector<16xi1>
        scf.yield %and3A_83 : vector<16xi1>
      }
    }
    %scan3A_38 = arith.constant 500 : i32
    "tpu.region"() ({
      %run_scoped3A = tpu.sem_alloc : memref<!tpu.dma_semaphore, #tpu.memory_space<semaphore_mem>>
      %dma_start3A = arith.constant 72000 : i32
      %dma_start3A_57 = tpu.memref_slice %arg2[%dma_start3A] : memref<120000xi32, #tpu.memory_space<hbm>> -> memref<24000xi32, #tpu.memory_space<hbm>>
      %dma_start3A_58 = arith.constant 72000 : i32
      %dma_start3A_59 = tpu.memref_slice %arg2[%dma_start3A_58] : memref<120000xi32, #tpu.memory_space<hbm>> -> memref<24000xi32, #tpu.memory_space<hbm>>
      tpu.enqueue_dma source(%dma_start3A_59 : memref<24000xi32, #tpu.memory_space<hbm>>) target(%arg4 : memref<24000xi32, #tpu.memory_space<vmem>>) target_semaphore(%run_scoped3A : memref<!tpu.dma_semaphore, #tpu.memory_space<semaphore_mem>>)
      %dma_wait3A = arith.constant 72000 : i32
      %dma_wait3A_60 = tpu.memref_slice %arg2[%dma_wait3A] : memref<120000xi32, #tpu.memory_space<hbm>> -> memref<24000xi32, #tpu.memory_space<hbm>>
      %dma_wait3A_61 = arith.constant 72000 : i32
      %dma_wait3A_62 = tpu.memref_slice %arg2[%dma_wait3A_61] : memref<120000xi32, #tpu.memory_space<hbm>> -> memref<24000xi32, #tpu.memory_space<hbm>>
      tpu.wait_dma2 semaphore(%run_scoped3A : memref<!tpu.dma_semaphore, #tpu.memory_space<semaphore_mem>>) src(%dma_wait3A_62 : memref<24000xi32, #tpu.memory_space<hbm>>) dst(%arg4 : memref<24000xi32, #tpu.memory_space<vmem>>)
      tpu.yield
    }) : () -> ()
    %scan3A_39 = arith.constant 0 : i32
    %scan3A_40 = arith.constant 0 : i32
    %scan3A_41 = arith.constant 500 : i32
    %scan3A_42 = arith.addi %scan3A_40, %scan3A_41 : i32
    %scan3A_43 = arith.constant 1 : i32
    scf.for %scan3A_57 = %scan3A_40 to %scan3A_42 step %scan3A_43  : i32 {
      %mul3A_58 = arith.constant 48 : i32
      %mul3A_59 = arith.muli %scan3A_57, %mul3A_58 : i32
      %add3A_60 = vector.broadcast %mul3A_59 : i32 to vector<16xi32>
      %add3A_61 = arith.addi %add3A_8, %add3A_60 : vector<16xi32>
      %gather3A = tpu.vector_load_idx %arg4[%add3A_61] : memref<24000xi32, #tpu.memory_space<vmem>>[vector<16xi32>], vector<16xi32>,
      %add3A_62 = vector.broadcast %mul3A_59 : i32 to vector<16xi32>
      %add3A_63 = arith.addi %add3A_14, %add3A_62 : vector<16xi32>
      %gather3A_64 = tpu.vector_load_idx %arg4[%add3A_63] : memref<24000xi32, #tpu.memory_space<vmem>>[vector<16xi32>], vector<16xi32>,
      %mul3A_65 = arith.constant 512 : i32
      %mul3A_66 = vector.broadcast %mul3A_65 : i32 to vector<16xi32>
      %mul3A_67 = arith.muli %gather3A, %mul3A_66 : vector<16xi32>
      %add3A_68 = arith.addi %mul3A_67, %gather3A_64 : vector<16xi32>
      %sub3A = vector.broadcast %mul3A_2 : i32 to vector<16xi32>
      %sub3A_69 = arith.subi %add3A_68, %sub3A : vector<16xi32>
      %mul3A_70 = arith.constant 16 : i32
      %mul3A_71 = arith.muli %scan3A_57, %mul3A_70 : i32
      %add3A_72 = arith.constant 24000 : i32
      %add3A_73 = arith.addi %add3A_72, %mul3A_71 : i32
      %add3A_74 = vector.broadcast %add3A_73 : i32 to vector<16xi32>
      %add3A_75 = arith.addi %add3A_74, %iota3A : vector<16xi32>
      %ge3A = arith.constant 0 : i32
      %ge3A_76 = vector.broadcast %ge3A : i32 to vector<16xi32>
      %ge3A_77 = arith.cmpi sge, %sub3A_69, %ge3A_76 : vector<16xi32>
      %lt3A = arith.constant 8192 : i32
      %lt3A_78 = vector.broadcast %lt3A : i32 to vector<16xi32>
      %lt3A_79 = arith.cmpi slt, %sub3A_69, %lt3A_78 : vector<16xi32>
      %and3A = arith.andi %ge3A_77, %lt3A_79 : vector<16xi1>
      %while3A = scf.while (%while3A_80 = %and3A) : (vector<16xi1>) -> vector<16xi1> {
        %convert_element_type3A = arith.extui %while3A_80 : vector<16xi1> to vector<16xi32>
        %reduce_max3A = arith.constant true
        %reduce_max3A_81 = vector.broadcast %reduce_max3A : i1 to vector<16xi1>
        %reduce_max3A_82 = arith.constant -2147483648 : i32
        %reduce_max3A_83 = vector.broadcast %reduce_max3A_82 : i32 to vector<16xi32>
        %reduce_max3A_84 = arith.xori %convert_element_type3A, %reduce_max3A_83 : vector<16xi32>
        %reduce_max3A_85 = tpu.scan <max>, %reduce_max3A_84 masked %reduce_max3A_81 : vector<16xi32>, vector<16xi1> -> vector<16xi32>
        %reduce_max3A_86 = arith.xori %reduce_max3A_85, %reduce_max3A_83 : vector<16xi32>
        %reduce_max3A_87 = vector.extract %reduce_max3A_86[15] : i32 from vector<16xi32>
        %gt3A = arith.constant 0 : i32
        %gt3A_88 = arith.cmpi sgt, %reduce_max3A_87, %gt3A : i32
        scf.condition(%gt3A_88) %while3A_80 : vector<16xi1>
      } do {
      ^bb0(%while3A_80: vector<16xi1>):
        tpu.vector_store_idx %arg5[%sub3A_69], %add3A_75 masked %while3A_80 : memref<8192xi32, #tpu.memory_space<vmem>>[vector<16xi32>], vector<16xi32>, vector<16xi1>
        %gather3A_81 = tpu.vector_load_idx %arg5[%sub3A_69] masked %while3A_80 : memref<8192xi32, #tpu.memory_space<vmem>>[vector<16xi32>], vector<16xi32>, vector<16xi1>
        %lt3A_82 = arith.cmpi slt, %gather3A_81, %add3A_75 : vector<16xi32>
        %and3A_83 = arith.andi %while3A_80, %lt3A_82 : vector<16xi1>
        scf.yield %and3A_83 : vector<16xi1>
      }
    }
    %scan3A_44 = arith.constant 500 : i32
    "tpu.region"() ({
      %run_scoped3A = tpu.sem_alloc : memref<!tpu.dma_semaphore, #tpu.memory_space<semaphore_mem>>
      %dma_start3A = arith.constant 96000 : i32
      %dma_start3A_57 = tpu.memref_slice %arg2[%dma_start3A] : memref<120000xi32, #tpu.memory_space<hbm>> -> memref<24000xi32, #tpu.memory_space<hbm>>
      %dma_start3A_58 = arith.constant 96000 : i32
      %dma_start3A_59 = tpu.memref_slice %arg2[%dma_start3A_58] : memref<120000xi32, #tpu.memory_space<hbm>> -> memref<24000xi32, #tpu.memory_space<hbm>>
      tpu.enqueue_dma source(%dma_start3A_59 : memref<24000xi32, #tpu.memory_space<hbm>>) target(%arg4 : memref<24000xi32, #tpu.memory_space<vmem>>) target_semaphore(%run_scoped3A : memref<!tpu.dma_semaphore, #tpu.memory_space<semaphore_mem>>)
      %dma_wait3A = arith.constant 96000 : i32
      %dma_wait3A_60 = tpu.memref_slice %arg2[%dma_wait3A] : memref<120000xi32, #tpu.memory_space<hbm>> -> memref<24000xi32, #tpu.memory_space<hbm>>
      %dma_wait3A_61 = arith.constant 96000 : i32
      %dma_wait3A_62 = tpu.memref_slice %arg2[%dma_wait3A_61] : memref<120000xi32, #tpu.memory_space<hbm>> -> memref<24000xi32, #tpu.memory_space<hbm>>
      tpu.wait_dma2 semaphore(%run_scoped3A : memref<!tpu.dma_semaphore, #tpu.memory_space<semaphore_mem>>) src(%dma_wait3A_62 : memref<24000xi32, #tpu.memory_space<hbm>>) dst(%arg4 : memref<24000xi32, #tpu.memory_space<vmem>>)
      tpu.yield
    }) : () -> ()
    %scan3A_45 = arith.constant 0 : i32
    %scan3A_46 = arith.constant 0 : i32
    %scan3A_47 = arith.constant 500 : i32
    %scan3A_48 = arith.addi %scan3A_46, %scan3A_47 : i32
    %scan3A_49 = arith.constant 1 : i32
    scf.for %scan3A_57 = %scan3A_46 to %scan3A_48 step %scan3A_49  : i32 {
      %mul3A_58 = arith.constant 48 : i32
      %mul3A_59 = arith.muli %scan3A_57, %mul3A_58 : i32
      %add3A_60 = vector.broadcast %mul3A_59 : i32 to vector<16xi32>
      %add3A_61 = arith.addi %add3A_8, %add3A_60 : vector<16xi32>
      %gather3A = tpu.vector_load_idx %arg4[%add3A_61] : memref<24000xi32, #tpu.memory_space<vmem>>[vector<16xi32>], vector<16xi32>,
      %add3A_62 = vector.broadcast %mul3A_59 : i32 to vector<16xi32>
      %add3A_63 = arith.addi %add3A_14, %add3A_62 : vector<16xi32>
      %gather3A_64 = tpu.vector_load_idx %arg4[%add3A_63] : memref<24000xi32, #tpu.memory_space<vmem>>[vector<16xi32>], vector<16xi32>,
      %mul3A_65 = arith.constant 512 : i32
      %mul3A_66 = vector.broadcast %mul3A_65 : i32 to vector<16xi32>
      %mul3A_67 = arith.muli %gather3A, %mul3A_66 : vector<16xi32>
      %add3A_68 = arith.addi %mul3A_67, %gather3A_64 : vector<16xi32>
      %sub3A = vector.broadcast %mul3A_2 : i32 to vector<16xi32>
      %sub3A_69 = arith.subi %add3A_68, %sub3A : vector<16xi32>
      %mul3A_70 = arith.constant 16 : i32
      %mul3A_71 = arith.muli %scan3A_57, %mul3A_70 : i32
      %add3A_72 = arith.constant 32000 : i32
      %add3A_73 = arith.addi %add3A_72, %mul3A_71 : i32
      %add3A_74 = vector.broadcast %add3A_73 : i32 to vector<16xi32>
      %add3A_75 = arith.addi %add3A_74, %iota3A : vector<16xi32>
      %ge3A = arith.constant 0 : i32
      %ge3A_76 = vector.broadcast %ge3A : i32 to vector<16xi32>
      %ge3A_77 = arith.cmpi sge, %sub3A_69, %ge3A_76 : vector<16xi32>
      %lt3A = arith.constant 8192 : i32
      %lt3A_78 = vector.broadcast %lt3A : i32 to vector<16xi32>
      %lt3A_79 = arith.cmpi slt, %sub3A_69, %lt3A_78 : vector<16xi32>
      %and3A = arith.andi %ge3A_77, %lt3A_79 : vector<16xi1>
      %while3A = scf.while (%while3A_80 = %and3A) : (vector<16xi1>) -> vector<16xi1> {
        %convert_element_type3A = arith.extui %while3A_80 : vector<16xi1> to vector<16xi32>
        %reduce_max3A = arith.constant true
        %reduce_max3A_81 = vector.broadcast %reduce_max3A : i1 to vector<16xi1>
        %reduce_max3A_82 = arith.constant -2147483648 : i32
        %reduce_max3A_83 = vector.broadcast %reduce_max3A_82 : i32 to vector<16xi32>
        %reduce_max3A_84 = arith.xori %convert_element_type3A, %reduce_max3A_83 : vector<16xi32>
        %reduce_max3A_85 = tpu.scan <max>, %reduce_max3A_84 masked %reduce_max3A_81 : vector<16xi32>, vector<16xi1> -> vector<16xi32>
        %reduce_max3A_86 = arith.xori %reduce_max3A_85, %reduce_max3A_83 : vector<16xi32>
        %reduce_max3A_87 = vector.extract %reduce_max3A_86[15] : i32 from vector<16xi32>
        %gt3A = arith.constant 0 : i32
        %gt3A_88 = arith.cmpi sgt, %reduce_max3A_87, %gt3A : i32
        scf.condition(%gt3A_88) %while3A_80 : vector<16xi1>
      } do {
      ^bb0(%while3A_80: vector<16xi1>):
        tpu.vector_store_idx %arg5[%sub3A_69], %add3A_75 masked %while3A_80 : memref<8192xi32, #tpu.memory_space<vmem>>[vector<16xi32>], vector<16xi32>, vector<16xi1>
        %gather3A_81 = tpu.vector_load_idx %arg5[%sub3A_69] masked %while3A_80 : memref<8192xi32, #tpu.memory_space<vmem>>[vector<16xi32>], vector<16xi32>, vector<16xi1>
        %lt3A_82 = arith.cmpi slt, %gather3A_81, %add3A_75 : vector<16xi32>
        %and3A_83 = arith.andi %while3A_80, %lt3A_82 : vector<16xi1>
        scf.yield %and3A_83 : vector<16xi1>
      }
    }
    %scan3A_50 = arith.constant 500 : i32
    %scan3A_51 = arith.constant 0 : i32
    %scan3A_52 = arith.constant 0 : i32
    %scan3A_53 = arith.constant 512 : i32
    %scan3A_54 = arith.addi %scan3A_52, %scan3A_53 : i32
    %scan3A_55 = arith.constant 1 : i32
    scf.for %scan3A_57 = %scan3A_52 to %scan3A_54 step %scan3A_55  : i32 {
      %mul3A_58 = arith.constant 16 : i32
      %mul3A_59 = arith.muli %scan3A_57, %mul3A_58 : i32
      %get3A = arith.index_cast %mul3A_59 : i32 to index
      %get3A_60 = tpu.vector_load %arg5[%get3A] {strides = array<i32>} : memref<8192xi32, #tpu.memory_space<vmem>>, vector<16xi32>,
      %lt3A = arith.constant 0 : i32
      %lt3A_61 = vector.broadcast %lt3A : i32 to vector<16xi32>
      %lt3A_62 = arith.cmpi slt, %get3A_60, %lt3A_61 : vector<16xi32>
      %jit3A = arith.constant 40000 : i32
      %broadcast_in_dim3A_63 = vector.broadcast %jit3A : i32 to vector<16xi32>
      %select_n3A = arith.select %lt3A_62, %broadcast_in_dim3A_63, %get3A_60 : vector<16xi1>, vector<16xi32>
      %mul3A_64 = arith.constant 16 : i32
      %mul3A_65 = arith.muli %scan3A_57, %mul3A_64 : i32
      %swap3A = arith.index_cast %mul3A_65 : i32 to index
      %swap3A_66 = tpu.vector_load %arg5[%swap3A] {strides = array<i32>} : memref<8192xi32, #tpu.memory_space<vmem>>, vector<16xi32>,
      tpu.vector_store %arg5[%swap3A], %select_n3A {strides = array<i32>} : memref<8192xi32, #tpu.memory_space<vmem>>, vector<16xi32>,
    }
    %scan3A_56 = arith.constant 512 : i32
    "tpu.region"() ({
      %run_scoped3A = tpu.sem_alloc : memref<!tpu.dma_semaphore, #tpu.memory_space<semaphore_mem>>
      %dma_start3A = tpu.memref_slice %arg3[%mul3A_2] : memref<262144xi32, #tpu.memory_space<hbm>> -> memref<8192xi32, #tpu.memory_space<hbm>>
      %dma_start3A_57 = tpu.memref_slice %arg3[%mul3A_2] : memref<262144xi32, #tpu.memory_space<hbm>> -> memref<8192xi32, #tpu.memory_space<hbm>>
      tpu.enqueue_dma source(%arg5 : memref<8192xi32, #tpu.memory_space<vmem>>) target(%dma_start3A_57 : memref<8192xi32, #tpu.memory_space<hbm>>) target_semaphore(%run_scoped3A : memref<!tpu.dma_semaphore, #tpu.memory_space<semaphore_mem>>)
      %dma_wait3A = tpu.memref_slice %arg3[%mul3A_2] : memref<262144xi32, #tpu.memory_space<hbm>> -> memref<8192xi32, #tpu.memory_space<hbm>>
      %dma_wait3A_58 = tpu.memref_slice %arg3[%mul3A_2] : memref<262144xi32, #tpu.memory_space<hbm>> -> memref<8192xi32, #tpu.memory_space<hbm>>
      tpu.wait_dma2 semaphore(%run_scoped3A : memref<!tpu.dma_semaphore, #tpu.memory_space<semaphore_mem>>) src(%arg5 : memref<8192xi32, #tpu.memory_space<vmem>>) dst(%dma_wait3A_58 : memref<8192xi32, #tpu.memory_space<hbm>>)
      tpu.yield
    }) : () -> ()
    return
  }
}

module attributes {stable_mosaic.version = 14 : i64} {
  func.func @_transpose_body(%arg0: i32, %arg1: memref<4096x64xf32, #tpu.memory_space<vmem>>, %arg2: memref<64x4096xf32, #tpu.memory_space<vmem>>) attributes {dimension_semantics = [#tpu.dimension_semantics<arbitrary>], iteration_bounds = array<i64: 10>, scalar_prefetch = 0 : i64, scratch_operands = 0 : i64, tpu.core_type = #tpu.core_type<tc>, window_params = [{transform_indices = @transform_0, window_bounds = array<i64: 4096, 64>}, {transform_indices = @transform_1, window_bounds = array<i64: 64, 4096>}]} {
    %get3A = arith.constant 0 : index
    %get3A_0 = arith.constant 0 : index
    %get3A_1 = vector.load %arg1[%get3A, %get3A_0] : memref<4096x64xf32, #tpu.memory_space<vmem>>, vector<4096x64xf32>
    %transpose3A = tpu.transpose %get3A_1, [1, 0] : vector<4096x64xf32> -> vector<64x4096xf32>
    %swap3A = arith.constant 0 : index
    %swap3A_2 = arith.constant 0 : index
    %swap3A_3 = vector.load %arg2[%swap3A, %swap3A_2] : memref<64x4096xf32, #tpu.memory_space<vmem>>, vector<64x4096xf32>
    tpu.vector_store %arg2[%swap3A, %swap3A_2], %transpose3A {strides = array<i32>} : memref<64x4096xf32, #tpu.memory_space<vmem>>, vector<64x4096xf32>,
    return
  }
  func.func @transform_0(%arg0: i32) -> (i32, i32) {
    %c0_i32 = arith.constant 0 : i32
    %c0_i32_0 = arith.constant 0 : i32
    return %arg0, %c0_i32 : i32, i32
  }
  func.func @transform_1(%arg0: i32) -> (i32, i32) {
    %c0_i32 = arith.constant 0 : i32
    %c0_i32_0 = arith.constant 0 : i32
    return %c0_i32, %arg0 : i32, i32
  }
}

</mosaic_0001>

<sc_bundles>
// kernel: kernel.5.cloned.1.call-start
scs
__scs_entry_jumppad:
0x0: {  	(pc) =	sbr.rel $0x88, $3  }
0x1: {  	(tag) =	ssettag $0x0;
	lr =	simm.s32 $0x1  }
0x2: {  	[smem:$0x3F9F] =	sst lr;
	_ =	strace $0xD0000000  }
0x3: {  	_ = 	snop  }
0x4: {  	_ = 	snop  }
0x5: {  	_ = 	snop  }
0x6: {  	_ = 	snop  }
0x7: {  	_ = 	snop  }
__scs_overlays_trampoline_lowered:
0x8: {  	[smem:$0x3FAE] =	sst s0  }
0x9: {  	[smem:$0x3FAF] =	sst s1  }
0xa: {  	[smem:$0x3FB0] =	sst s2  }
0xb: {  	[smem:$0x3FB1] =	sst s3  }
0xc: {  	[smem:$0x3FB2] =	sst s4  }
0xd: {  	[smem:$0x3FB3] =	sst s5  }
0xe: {  	[smem:$0x3FB4] =	sst s6  }
0xf: {  	[smem:$0x3FB5] =	sst s7  }
0x10: {  	[smem:$0x3FB6] =	sst s8  }
0x11: {  	[smem:$0x3FB7] =	sst s9;
	s0 =	simm.s32 @!p0 $0x0  }
0x12: {  	s1 =	sld [smem:$0x3F9D];
	s0 =	simm.s32 @p0 $0x1  }
0x13: {  	[smem:$0x3FB8] =	sst s0;
	s0 =	simm.s32 @!p1 $0x0  }
0x14: {  	s2 =	sld [smem:$0x3F9C];
	s0 =	simm.s32 @p1 $0x1  }
0x15: {  	[smem:$0x3FB9] =	sst s0;
	s0 =	simm.s32 @!p2 $0x0  }
0x16: {  	s3 =	sld [smem:$0x3FDB];
	s0 =	simm.s32 @p2 $0x1  }
0x17: {  	s4 =	simm.s32 $0x1BF5;
	[smem:$0x3FBB] =	sst s0  }
0x18: {  	s0 =	sld [smem:$0x3F9E];
	_ =	swait.ge [sflag:s4], $0x0  }
0x19: {  	s7 =	sld [smem:$0x3F9F]  }
0x1a: {  	s8 =	sadd.s32 $0xFFFFE003, lr  }
0x1b: {  	s9 =	sadd.s32 $0xFFFFFEF7, lr;
	s5 =	simm.s32 $0xFFFFFFFF;
	p2 =	slt.u32 s8, $0xFFFFF086  }
0x1c: {  	p1 =	slt.u32 s9, $0xF7A;
	s5 =	simm.s32 @!p2 $0x0  }
0x1d: {  	s5 =	simm.s32 @p1 $0x1;
	p0 =	seq.s32 s7, s2  }
0x1e: {  	s7 =	smul.u32 @!p0 $0xF7A, s2;
	p2 =	seq.s32 @!p0 s5, $0x0  }
0x1f: {  	s9 =	smul.u32 $0xF7A, s1;
	s8 =	simm.s32 @!p0 $0x1BF5;
	p2 =	por !p2, p0  }
0x20: {  	[sflag:s8] =	ssyncset.s32 @!p0 $0xFFFFF086;
	s6 =	sadd.s32 @!p0 s3, s7;
	s7 =	simm.s32 @!p0 $0x108  }
0x21: {  	s3 =	sadd.s32 s3, s9;
	s6 =	sadd.s32 @!p0 $0x88, s6;
	s7 =	simm.s32 @p2 $0x1082  }
0x22: {  	[simem:s7], [sflag:s8] =	dma.local @!p0 [hbm:s6], $0xF7A  }
0x23: {  	s9 =	sor.u32 $0xD0000000, s2;
	s6 =	simm.s32 $0x108;
	_ =	swait.ge @!p0 [sflag:s8], $0x0  }
0x24: {  	s3 =	sadd.s32 $0x88, s3;
	s6 =	simm.s32 @!p1 $0x1082;
	[sflag:s4] =	ssyncset.s32 $0xFFFFF086  }
0x25: {  	[simem:s6], [sflag:s4] =	dma.local [hbm:s3], $0xF7A  }
0x26: {  	[smem:$0x3F9F] =	sst s1;
	(tag) =	ssettag s2;
	_ =	strace s9  }
0x27: {  	s1 =	sld [smem:$0x3FAF]  }
0x28: {  	s2 =	sld [smem:$0x3FB0]  }
0x29: {  	s4 =	sld [smem:$0x3FB2]  }
0x2a: {  	p0 =	seq.s32 s5, $0x0;
	s5 =	sld [smem:$0x3FB3]  }
0x2b: {  	s6 =	sld [smem:$0x3FB4]  }
0x2c: {  	s7 =	sld [smem:$0x3FB5]  }
0x2d: {  	s3 =	simm.s32 $0x108;
	s8 =	sld [smem:$0x3FB6]  }
0x2e: {  	s3 =	simm.s32 @!p0 $0x1082;
	s9 =	sld [smem:$0x3FB7]  }
0x2f: {  	lr =	sadd.s32 s0, s3;
	s0 =	sld [smem:$0x3FAE]  }
0x30: {  	s3 =	sld [smem:$0x3FB1]  }
0x31: {  	[smem:$0x3FBA] =	sst s10  }
0x32: {  	s10 =	sld [smem:$0x3FB8];
	_ =	sdelay $0x3  }
0x33: {  	p0 =	seq.s32 s10, $0x1;
	s10 =	sld [smem:$0x3FBA];
	_ =	sdelay $0x3  }
0x34: {  	[smem:$0x3FBA] =	sst s10  }
0x35: {  	s10 =	sld [smem:$0x3FB9];
	_ =	sdelay $0x3  }
0x36: {  	p1 =	seq.s32 s10, $0x1;
	s10 =	sld [smem:$0x3FBA];
	_ =	sdelay $0x3  }
0x37: {  	[smem:$0x3FBA] =	sst s10  }
0x38: {  	s10 =	sld [smem:$0x3FBB]  }
0x39: {  	_ = 	snop;
	(pc) =	sbr.ind lr, $3  }
0x3a: {  	_ = 	snop  }
0x3b: {  	_ = 	snop  }
0x3c: {  	p2 =	seq.s32 s10, $0x1;
	s10 =	sld [smem:$0x3FBA]  }
0x3d: {  	_ =	shalt  }
0x3e: {  	_ =	shalt  }
0x3f: {  	_ =	shalt  }
0x40: {  	_ =	shalt  }
0x41: {  	_ =	shalt  }
0x42: {  	_ =	shalt  }
0x43: {  	_ =	shalt  }
0x44: {  	_ =	shalt  }
0x45: {  	_ =	shalt  }
0x46: {  	_ =	shalt  }
0x47: {  	_ =	shalt  }
0x48: {  	_ =	shalt  }
0x49: {  	_ =	shalt  }
0x4a: {  	_ =	shalt  }
0x4b: {  	_ =	shalt  }
0x4c: {  	_ =	shalt  }
0x4d: {  	_ =	shalt  }
0x4e: {  	_ =	shalt  }
0x4f: {  	_ =	shalt  }
0x50: {  	_ =	shalt  }
0x51: {  	_ =	shalt  }
0x52: {  	_ =	shalt  }
0x53: {  	_ =	shalt  }
0x54: {  	_ =	shalt  }
0x55: {  	_ =	shalt  }
0x56: {  	_ =	shalt  }
0x57: {  	_ =	shalt  }
0x58: {  	_ =	shalt  }
0x59: {  	_ =	shalt  }
0x5a: {  	_ =	shalt  }
0x5b: {  	_ =	shalt  }
0x5c: {  	_ =	shalt  }
0x5d: {  	_ =	shalt  }
0x5e: {  	_ =	shalt  }
0x5f: {  	_ =	shalt  }
0x60: {  	_ =	shalt  }
0x61: {  	_ =	shalt  }
0x62: {  	_ =	shalt  }
0x63: {  	_ =	shalt  }
0x64: {  	_ =	shalt  }
0x65: {  	_ =	shalt  }
0x66: {  	_ =	shalt  }
0x67: {  	_ =	shalt  }
0x68: {  	_ =	shalt  }
0x69: {  	_ =	shalt  }
0x6a: {  	_ =	shalt  }
0x6b: {  	_ =	shalt  }
0x6c: {  	_ =	shalt  }
0x6d: {  	_ =	shalt  }
0x6e: {  	_ =	shalt  }
0x6f: {  	_ =	shalt  }
0x70: {  	_ =	shalt  }
0x71: {  	_ =	shalt  }
0x72: {  	_ =	shalt  }
0x73: {  	_ =	shalt  }
0x74: {  	_ =	shalt  }
0x75: {  	_ =	shalt  }
0x76: {  	_ =	shalt  }
0x77: {  	_ =	shalt  }
0x78: {  	_ =	shalt  }
0x79: {  	_ =	shalt  }
0x7a: {  	_ =	shalt  }
0x7b: {  	_ =	shalt  }
0x7c: {  	_ =	shalt  }
0x7d: {  	_ =	shalt  }
0x7e: {  	_ =	shalt  }
0x7f: {  	_ =	shalt  }
0x80: {  	_ =	shalt  }
0x81: {  	_ =	shalt  }
0x82: {  	_ =	shalt  }
0x83: {  	_ =	shalt  }
0x84: {  	_ =	shalt  }
0x85: {  	_ =	shalt  }
0x86: {  	_ =	shalt  }
0x87: {  	_ =	shalt  }
.Lfunc_end0:
.L_simem_size_0:
called_computation.1_lowered:
.L_overlay_start_0:
0x88: {  	s2 =	sld [smem:$0x3FD9]  }
0x89: {  	s3 =	sld [smem:$0x3FFE];
	_ =	sdelay $0x1  }
0x8a: {  	s1 =	srdreg.scid  }
0x8b: {  	s0 =	sand.u32 $0x1, s1  }
0x8c: {  	s16 =	sshll.u32 s0, $0xA;
	s2 =	sadd.s32 s3, s2  }
0x8d: {  	s2 =	sadd.s32 s2, s16  }
0x8e: {  	[smem:$0x3FC6] =	sst s2  }
0x8f: {  	_ = 	snop  }
0x90: {  	(tm) =	ssettm $0x1  }
0x91: {  	s17 =	sld [smem:$0x3FFB];
	_ =	sdelay $0x3  }
0x92: {  	_ =	strace s17  }
0x93: {  	s2 =	sld [smem:$0x3FFC];
	_ =	sdelay $0x3  }
0x94: {  	_ =	strace s2  }
0x95: {  	s2 =	sld [smem:$0x3FFD];
	_ =	sdelay $0x3  }
0x96: {  	_ =	strace s2  }
0x97: {  	_ =	strace $0x8FFFFFFF  }
0x98: {  	s18 =	sld [smem:$0x3FDB];
	_ =	sdelay $0x1  }
0x99: {  	s19 =	simm.s32 $_scs_section_size  }
0x9a: {  	s4 =	simm.s32 $_size__tile_overlayer_lowered;
	s5 =	simm.s32 $_tile_overlayer_lowered  }
0x9b: {  	s22 =	simm.s32 $0x1BFF;
	s21 =	sshll.u32 s5, $0x1;
	s2 =	sadd.s32 s19, s18  }
0x9c: {  	s6 =	simm.s32 $0x0;
	s20 =	sshll.u32 s4, $0x1;
	s4 =	sadd.s32 s21, s2  }
0x9d: {  	[timem:s6], [sflag:s22] =	dma.local [hbm:s4], s20  }
0x9e: {  	_ =	swait.ge [sflag:s22], s20  }
0x9f: {  	s3 =	ssub.s32 $0x0, s20;
	[sflag:s22] =	ssyncset.done $0x0  }
0xa0: {  	[sflag:s22] =	ssyncadd.s32 s3;
	_ =	sdelay $0x1  }
0xa1: {  	s23 =	simm.s32 $0x1B8B  }
0xa2: {  	_ =	swait.ge [sflag:s23], $0x1  }
0xa3: {  	[sflag:s23] =	ssyncset.done $0x0  }
0xa4: {  	s25 =	simm.s32 $0x1B8E;
	s24 =	sld [smem:$0x3FFE];
	[sflag:s23] =	ssyncadd.s32 $0xFFFFFFFF  }
0xa5: {  	s26 =	simm.s32 $execute0_lowered;
	[smem:$0x3FD2] =	sst s25  }
0xa6: {  	s4 =	sshll.u32 s26, $0x1;
	_ =	strace $0x80000046;
	[dreg:$0x1] =	wrdreg $0xFFFFFFFF  }
0xa7: {  	s28 =	simm.s32 $_size_execute0_lowered;
	s2 =	sadd.s32 s2, s4;
	[dreg:$0x0] =	wrdreg $0x0  }
0xa8: {  	s4 =	sshll.u32 s28, $0x1;
	[dreg:$0x2] =	wrdreg s2  }
0xa9: {  	[dreg:$0x3] =	wrdreg s4  }
0xaa: {  	[dreg:$0x4] =	wrdreg $0xC0  }
0xab: {  	_ =	task [dreg:s6], $0x5FFFF  }
0xac: {  	[dreg:$0x1] =	wrdreg $0xFFFFFFFF  }
0xad: {  	[dreg:$0x0] =	wrdreg $0x60  }
0xae: {  	[dreg:$0x2] =	wrdreg s24  }
0xaf: {  	[dreg:$0x3] =	wrdreg $0x9  }
0xb0: {  	_ =	task.clear_ibuf [dreg:s6], $0x4FFFF;
	_ =	strace $0x90000046  }
0xb1: {  	s29 =	simm.s32 $0x9;
	_ =	strace $0x80000048  }
0xb2: {  	_ =	swait.ge [sflag:s29], $0x1  }
0xb3: {  	[sflag:s29] =	ssyncadd.s32 $0xFFFFFFFF  }
0xb4: {  	_ =	strace $0x90000048  }
0xb5: {  	_ =	sfence  }
0xb6: {  	s30 =	sld [smem:$0x0];
	_ =	sdelay $0x2  }
0xb7: {  	s31 =	sshll.u32 s1, $0xD;
	s1 =	sshrl.u32 s1, $0x2  }
0xb8: {  	s3 =	sand.u32 $0x4000, s31;
	s1 =	sadd.s32 s1, s30  }
0xb9: {  	s0 =	sor.u32 s3, s0;
	s1 =	sshll.u32 s1, $0x11  }
0xba: {  	s0 =	sor.u32 s1, s0  }
0xbb: {  	s0 =	sadd.s32 $0x8F2B, s0  }
0xbc: {  	[sflag:s0] =	ssyncadd.remote.s32 $0x1  }
0xbd: {  	_ =	sfence.sel $0xFFFF  }
0xbe: {  	[dreg:$0x0] =	wrdreg $0xFFFFFFFF;
	(pc) =	sbr.abs _section_cstart, $3  }
0xbf: {  	[dreg:$0x1] =	wrdreg $0xFFFFFFFF  }
0xc0: {  	_ =	task.clear_ibuf [dreg:s6], $0x2FFFF;
	_ =	strace $0x9FFFFFFF  }
0xc1: {  	(tm) =	ssettm $0x7FFFFFFF  }
tec
execute0_lowered:
.L_overlay_start_1:
0x0: {  	(tag) =	ssettag $0x1  }
0x1: {  	s7 =	rddreg [dreg:$0x0];
	s2 =	srdreg.scid  }
0x2: {  	s0 =	rddreg [dreg:$0x1];
	s1 =	stileid.u32;
	s11 =	simm.s32 $0x5E00  }
0x3: {  	s12 =	simm.s32 $0x0;
	s3 =	sand.u32 $0x1, s2;
	s2 =	simm.s32 $0x0  }
0x4: {  	s4 =	sshll.u32 s1, $0xE;
	s5 =	sshll.u32 s3, $0xD;
	[smem:$0x7FF] =	sst s2  }
0x5: {  	s31 =	ssub.s32 $0x2, s3;
	s3 =	sadd.s32 $0x1A00, s7;
	s4 =	sor.u32 s5, s4  }
0x6: {  	v0 =	vlaneseq.u32;
	_ =	strace $0x80000047;
	s8 =	sshrl.u32 s31, $0x1;
	s5 =	sadd.s32 $0x3170, s7  }
0x7: {  	v4 =	vmul.u32 $0x3, v0;
	s6 =	sshrl.u32 s4, $0x3;
	s10 =	ssub.s32 s31, s8;
	v1 =	vmov s4;
	s4 =	sadd.s32 $0x25B8, s7  }
0x8: {  	v2 =	vimm.s32 $0xFFFFFFFF;
	v5 =	vimm.s32 $0x0;
	s9 =	sadd.s32 s6, s7;
	v1 =	vsub.s32 $0x0, v1;
	s6 =	sadd.s32 $0x3D28, s7;
	s7 =	sadd.s32 $0x48E0, s7  }
0x9: {  	v3 =	vadd.s32 $0x1, v4;
	v4 =	vadd.s32 $0x2, v4;
	v1 =	vbroadcast v1, $0x0;
	s8 =	sadd.s32 $0x5600, s9;
	s9 =	smax.u32 s10, $0x1;
	s10 =	simm.s32 $0x1  }
.LBB2_1:
0xa: {  	s13 =	simm.s32 $0x40;
	s14 =	simm.s32 $0x0  }
.LBB2_2:
0xb: {  	p0 =	sne.s32 s13, $0x7FC0;
	[tilespmem:s14+$0x5E00] =	vst v2;
	s14 =	smov.u32 s13;
	s13 =	sadd.s32 $0x40, s13  }
.Ltmp0:
0xc: {  	(pc) =	sbr.rel @p0 .LBB2_2-.Ltmp0, $2  }
0xd: {  	_ =	sdelay $0x2  }
0xe: {  	s14 =	sshra.s32 s14, $0x2  }
.Ltmp1:
0xf: {  	[tilespmem:s14+$0x5E00] =	vst v2;
	s13 =	simm.s32 $0x0;
	(pc) =	sbr.rel .LBB2_4-.Ltmp1, $4  }
0x10: {  	[tilespmem:s13], [sflag:$0x1] =	stream.linear.gather [hbm4b:s3+s13], $0x5DC0, $0x38;
	[tilespmem:$0x7E00] =	vst v63  }
0x11: {  	_ =	swait.ge [sflag:s10], $0x5DC0  }
0x12: {  	[sflag:s10] =	ssyncset.done $0x0  }
0x13: {  	[sflag:s10] =	ssyncadd.s32 $0xFFFFA240  }
.LBB2_7:
0x14: {  	s13 =	sadd.s32 $0x1, s13  }
0x15: {  	p0 =	sne.s32 s13, $0x1F4  }
.Ltmp2:
0x16: {  	_ = 	snop;
	(pc) =	sbr.rel @!p0 .LBB2_8-.Ltmp2, $1  }
0x17: {  	_ =	sdelay $0x3  }
.LBB2_4:
0x18: {  	s14 =	smul.u32 $0x30, s13;
	_ =	sdelay $0x1  }
0x19: {  	v6 =	vadd.s32 s14, v3  }
0x1a: {  	v7 =	vadd.s32 s14, v4;
	_ =	sdelay $0x3  }
0x1b: {  	v8 =	vld.idx.msk [tilespmem:v6+s2+$0x0], $0xffff  }
0x1c: {  	v6 =	vld.idx.msk [tilespmem:v7+s2+$0x0], $0xffff;
	_ =	sdelay $0x4  }
0x1d: {  	v7 =	vshll.u32 v8, $0x9;
	v8 =	vadd.s32 v1, v6  }
0x1e: {  	v7 =	vadd.s32 v7, v8  }
0x1f: {  	vm0 =	vlt.u32 v7, $0x2000  }
0x20: {  	v8 =	vsel vm0, $0x1, v5  }
0x21: {  	v8 =	vor.u32 $0x80000000, v8  }
0x22: {  	(xrf0) =	vmax.scan.msk.u32 $0xffff, v8;
	_ =	sdelay $0x5  }
0x23: {  	v8, _, _ =	vpop (xrf0)  }
0x24: {  	(v2sf) =	vpush v8, $0xF;
	_ =	sdelay $0xe  }
0x25: {  	s31 =	spop (v2sf)  }
0x26: {  	p0 =	slt.u32 s31, $0x80000001  }
.Ltmp3:
0x27: {  	_ = 	snop;
	(pc) =	sbr.rel @p0 .LBB2_7-.Ltmp3, $1  }
0x28: {  	_ =	sdelay $0x3  }
0x29: {  	v7 =	vand.u32 $0xFFFFFF80, v7;
	v8 =	vand.u32 $0x7F, v6  }
0x2a: {  	v7 =	vor.u32 v8, v7;
	_ =	sdelay $0x2  }
0x2b: {  	s14 =	sshll.u32 s13, $0x4  }
0x2c: {  	v6 =	vor.u32 s14, v0  }
.LBB2_6:
0x2d: {  	[tilespmem:v7+s11+$0x0] =	vst.idx.msk vm0, v6  }
0x2e: {  	v8 =	vld.idx.msk [tilespmem:v7+s11+$0x0], vm0;
	_ =	sdelay $0x4  }
0x2f: {  	vm1 =	vlt.s32 v8, v6  }
0x30: {  	vm0 =	vmand vm0, vm1  }
0x31: {  	v8 =	vsel vm0, $0x1, v5  }
0x32: {  	v8 =	vor.u32 $0x80000000, v8  }
0x33: {  	(xrf0) =	vmax.scan.msk.u32 $0xffff, v8;
	_ =	sdelay $0x5  }
0x34: {  	v8, _, _ =	vpop (xrf0)  }
0x35: {  	(v2sf) =	vpush v8, $0xF;
	_ =	sdelay $0xe  }
0x36: {  	s14 =	spop (v2sf)  }
0x37: {  	p0 =	sgt.u32 s14, $0x80000000  }
.Ltmp4:
0x38: {  	_ = 	snop;
	(pc) =	sbr.rel @p0 .LBB2_6-.Ltmp4, $1  }
0x39: {  	_ =	sdelay $0x3  }
.Ltmp5:
0x3a: {  	_ = 	snop;
	(pc) =	sbr.rel .LBB2_7-.Ltmp5, $1  }
0x3b: {  	_ =	sdelay $0x3  }
.LBB2_8:
.Ltmp6:
0x3c: {  	s13 =	simm.s32 $0x0;
	(pc) =	sbr.rel .LBB2_9-.Ltmp6, $4  }
0x3d: {  	[tilespmem:s13], [sflag:$0x1] =	stream.linear.gather [hbm4b:s4+s13], $0x5DC0, $0x38;
	[tilespmem:$0x7E00] =	vst v63  }
0x3e: {  	_ =	swait.ge [sflag:s10], $0x5DC0  }
0x3f: {  	[sflag:s10] =	ssyncset.done $0x0  }
0x40: {  	[sflag:s10] =	ssyncadd.s32 $0xFFFFA240  }
.LBB2_12:
0x41: {  	s13 =	sadd.s32 $0x1, s13  }
0x42: {  	p0 =	sne.s32 s13, $0x1F4  }
.Ltmp7:
0x43: {  	_ = 	snop;
	(pc) =	sbr.rel @!p0 .LBB2_13-.Ltmp7, $1  }
0x44: {  	_ =	sdelay $0x3  }
.LBB2_9:
0x45: {  	s14 =	smul.u32 $0x30, s13;
	_ =	sdelay $0x1  }
0x46: {  	v6 =	vadd.s32 s14, v3  }
0x47: {  	v7 =	vadd.s32 s14, v4;
	_ =	sdelay $0x3  }
0x48: {  	v8 =	vld.idx.msk [tilespmem:v6+s2+$0x0], $0xffff  }
0x49: {  	v6 =	vld.idx.msk [tilespmem:v7+s2+$0x0], $0xffff;
	_ =	sdelay $0x4  }
0x4a: {  	v7 =	vshll.u32 v8, $0x9;
	v8 =	vadd.s32 v1, v6  }
0x4b: {  	v7 =	vadd.s32 v7, v8  }
0x4c: {  	vm0 =	vlt.u32 v7, $0x2000  }
0x4d: {  	v8 =	vsel vm0, $0x1, v5  }
0x4e: {  	v8 =	vor.u32 $0x80000000, v8  }
0x4f: {  	(xrf0) =	vmax.scan.msk.u32 $0xffff, v8;
	_ =	sdelay $0x5  }
0x50: {  	v8, _, _ =	vpop (xrf0)  }
0x51: {  	(v2sf) =	vpush v8, $0xF;
	_ =	sdelay $0xe  }
0x52: {  	s31 =	spop (v2sf)  }
0x53: {  	p0 =	slt.u32 s31, $0x80000001  }
.Ltmp8:
0x54: {  	_ = 	snop;
	(pc) =	sbr.rel @p0 .LBB2_12-.Ltmp8, $1  }
0x55: {  	_ =	sdelay $0x3  }
0x56: {  	v7 =	vand.u32 $0xFFFFFF80, v7;
	v8 =	vand.u32 $0x7F, v6  }
0x57: {  	v7 =	vor.u32 v8, v7;
	_ =	sdelay $0x1  }
0x58: {  	s14 =	sshll.u32 s13, $0x4  }
0x59: {  	s14 =	sadd.s32 $0x1F40, s14  }
0x5a: {  	v6 =	vor.u32 s14, v0  }
.LBB2_11:
0x5b: {  	[tilespmem:v7+s11+$0x0] =	vst.idx.msk vm0, v6  }
0x5c: {  	v8 =	vld.idx.msk [tilespmem:v7+s11+$0x0], vm0;
	_ =	sdelay $0x4  }
0x5d: {  	vm1 =	vlt.s32 v8, v6  }
0x5e: {  	vm0 =	vmand vm0, vm1  }
0x5f: {  	v8 =	vsel vm0, $0x1, v5  }
0x60: {  	v8 =	vor.u32 $0x80000000, v8  }
0x61: {  	(xrf0) =	vmax.scan.msk.u32 $0xffff, v8;
	_ =	sdelay $0x5  }
0x62: {  	v8, _, _ =	vpop (xrf0)  }
0x63: {  	(v2sf) =	vpush v8, $0xF;
	_ =	sdelay $0xe  }
0x64: {  	s14 =	spop (v2sf)  }
0x65: {  	p0 =	sgt.u32 s14, $0x80000000  }
.Ltmp9:
0x66: {  	_ = 	snop;
	(pc) =	sbr.rel @p0 .LBB2_11-.Ltmp9, $1  }
0x67: {  	_ =	sdelay $0x3  }
.Ltmp10:
0x68: {  	_ = 	snop;
	(pc) =	sbr.rel .LBB2_12-.Ltmp10, $1  }
0x69: {  	_ =	sdelay $0x3  }
.LBB2_13:
.Ltmp11:
0x6a: {  	s13 =	simm.s32 $0x0;
	(pc) =	sbr.rel .LBB2_14-.Ltmp11, $4  }
0x6b: {  	[tilespmem:s13], [sflag:$0x1] =	stream.linear.gather [hbm4b:s5+s13], $0x5DC0, $0x38;
	[tilespmem:$0x7E00] =	vst v63  }
0x6c: {  	_ =	swait.ge [sflag:s10], $0x5DC0  }
0x6d: {  	[sflag:s10] =	ssyncset.done $0x0  }
0x6e: {  	[sflag:s10] =	ssyncadd.s32 $0xFFFFA240  }
.LBB2_17:
0x6f: {  	s13 =	sadd.s32 $0x1, s13  }
0x70: {  	p0 =	sne.s32 s13, $0x1F4  }
.Ltmp12:
0x71: {  	_ = 	snop;
	(pc) =	sbr.rel @!p0 .LBB2_18-.Ltmp12, $1  }
0x72: {  	_ =	sdelay $0x3  }
.LBB2_14:
0x73: {  	s14 =	smul.u32 $0x30, s13;
	_ =	sdelay $0x1  }
0x74: {  	v6 =	vadd.s32 s14, v3  }
0x75: {  	v7 =	vadd.s32 s14, v4;
	_ =	sdelay $0x3  }
0x76: {  	v8 =	vld.idx.msk [tilespmem:v6+s2+$0x0], $0xffff  }
0x77: {  	v6 =	vld.idx.msk [tilespmem:v7+s2+$0x0], $0xffff;
	_ =	sdelay $0x4  }
0x78: {  	v7 =	vshll.u32 v8, $0x9;
	v8 =	vadd.s32 v1, v6  }
0x79: {  	v7 =	vadd.s32 v7, v8  }
0x7a: {  	vm0 =	vlt.u32 v7, $0x2000  }
0x7b: {  	v8 =	vsel vm0, $0x1, v5  }
0x7c: {  	v8 =	vor.u32 $0x80000000, v8  }
0x7d: {  	(xrf0) =	vmax.scan.msk.u32 $0xffff, v8;
	_ =	sdelay $0x5  }
0x7e: {  	v8, _, _ =	vpop (xrf0)  }
0x7f: {  	(v2sf) =	vpush v8, $0xF;
	_ =	sdelay $0xe  }
0x80: {  	s31 =	spop (v2sf)  }
0x81: {  	p0 =	slt.u32 s31, $0x80000001  }
.Ltmp13:
0x82: {  	_ = 	snop;
	(pc) =	sbr.rel @p0 .LBB2_17-.Ltmp13, $1  }
0x83: {  	_ =	sdelay $0x3  }
0x84: {  	v7 =	vand.u32 $0xFFFFFF80, v7;
	v8 =	vand.u32 $0x7F, v6  }
0x85: {  	v7 =	vor.u32 v8, v7;
	_ =	sdelay $0x1  }
0x86: {  	s14 =	sshll.u32 s13, $0x4  }
0x87: {  	s14 =	sadd.s32 $0x3E80, s14  }
0x88: {  	v6 =	vor.u32 s14, v0  }
.LBB2_16:
0x89: {  	[tilespmem:v7+s11+$0x0] =	vst.idx.msk vm0, v6  }
0x8a: {  	v8 =	vld.idx.msk [tilespmem:v7+s11+$0x0], vm0;
	_ =	sdelay $0x4  }
0x8b: {  	vm1 =	vlt.s32 v8, v6  }
0x8c: {  	vm0 =	vmand vm0, vm1  }
0x8d: {  	v8 =	vsel vm0, $0x1, v5  }
0x8e: {  	v8 =	vor.u32 $0x80000000, v8  }
0x8f: {  	(xrf0) =	vmax.scan.msk.u32 $0xffff, v8;
	_ =	sdelay $0x5  }
0x90: {  	v8, _, _ =	vpop (xrf0)  }
0x91: {  	(v2sf) =	vpush v8, $0xF;
	_ =	sdelay $0xe  }
0x92: {  	s14 =	spop (v2sf)  }
0x93: {  	p0 =	sgt.u32 s14, $0x80000000  }
.Ltmp14:
0x94: {  	_ = 	snop;
	(pc) =	sbr.rel @p0 .LBB2_16-.Ltmp14, $1  }
0x95: {  	_ =	sdelay $0x3  }
.Ltmp15:
0x96: {  	_ = 	snop;
	(pc) =	sbr.rel .LBB2_17-.Ltmp15, $1  }
0x97: {  	_ =	sdelay $0x3  }
.LBB2_18:
.Ltmp16:
0x98: {  	s13 =	simm.s32 $0x0;
	(pc) =	sbr.rel .LBB2_19-.Ltmp16, $4  }
0x99: {  	[tilespmem:s13], [sflag:$0x1] =	stream.linear.gather [hbm4b:s6+s13], $0x5DC0, $0x38;
	[tilespmem:$0x7E00] =	vst v63  }
0x9a: {  	_ =	swait.ge [sflag:s10], $0x5DC0  }
0x9b: {  	[sflag:s10] =	ssyncset.done $0x0  }
0x9c: {  	[sflag:s10] =	ssyncadd.s32 $0xFFFFA240  }
.LBB2_22:
0x9d: {  	s13 =	sadd.s32 $0x1, s13  }
0x9e: {  	p0 =	sne.s32 s13, $0x1F4  }
.Ltmp17:
0x9f: {  	_ = 	snop;
	(pc) =	sbr.rel @!p0 .LBB2_23-.Ltmp17, $1  }
0xa0: {  	_ =	sdelay $0x3  }
.LBB2_19:
0xa1: {  	s14 =	smul.u32 $0x30, s13;
	_ =	sdelay $0x1  }
0xa2: {  	v6 =	vadd.s32 s14, v3  }
0xa3: {  	v7 =	vadd.s32 s14, v4;
	_ =	sdelay $0x3  }
0xa4: {  	v8 =	vld.idx.msk [tilespmem:v6+s2+$0x0], $0xffff  }
0xa5: {  	v6 =	vld.idx.msk [tilespmem:v7+s2+$0x0], $0xffff;
	_ =	sdelay $0x4  }
0xa6: {  	v7 =	vshll.u32 v8, $0x9;
	v8 =	vadd.s32 v1, v6  }
0xa7: {  	v7 =	vadd.s32 v7, v8  }
0xa8: {  	vm0 =	vlt.u32 v7, $0x2000  }
0xa9: {  	v8 =	vsel vm0, $0x1, v5  }
0xaa: {  	v8 =	vor.u32 $0x80000000, v8  }
0xab: {  	(xrf0) =	vmax.scan.msk.u32 $0xffff, v8;
	_ =	sdelay $0x5  }
0xac: {  	v8, _, _ =	vpop (xrf0)  }
0xad: {  	(v2sf) =	vpush v8, $0xF;
	_ =	sdelay $0xe  }
0xae: {  	s31 =	spop (v2sf)  }
0xaf: {  	p0 =	slt.u32 s31, $0x80000001  }
.Ltmp18:
0xb0: {  	_ = 	snop;
	(pc) =	sbr.rel @p0 .LBB2_22-.Ltmp18, $1  }
0xb1: {  	_ =	sdelay $0x3  }
0xb2: {  	v7 =	vand.u32 $0xFFFFFF80, v7;
	v8 =	vand.u32 $0x7F, v6  }
0xb3: {  	v7 =	vor.u32 v8, v7;
	_ =	sdelay $0x1  }
0xb4: {  	s14 =	sshll.u32 s13, $0x4  }
0xb5: {  	s14 =	sadd.s32 $0x5DC0, s14  }
0xb6: {  	v6 =	vor.u32 s14, v0  }
.LBB2_21:
0xb7: {  	[tilespmem:v7+s11+$0x0] =	vst.idx.msk vm0, v6  }
0xb8: {  	v8 =	vld.idx.msk [tilespmem:v7+s11+$0x0], vm0;
	_ =	sdelay $0x4  }
0xb9: {  	vm1 =	vlt.s32 v8, v6  }
0xba: {  	vm0 =	vmand vm0, vm1  }
0xbb: {  	v8 =	vsel vm0, $0x1, v5  }
0xbc: {  	v8 =	vor.u32 $0x80000000, v8  }
0xbd: {  	(xrf0) =	vmax.scan.msk.u32 $0xffff, v8;
	_ =	sdelay $0x5  }
0xbe: {  	v8, _, _ =	vpop (xrf0)  }
0xbf: {  	(v2sf) =	vpush v8, $0xF;
	_ =	sdelay $0xe  }
0xc0: {  	s14 =	spop (v2sf)  }
0xc1: {  	p0 =	sgt.u32 s14, $0x80000000  }
.Ltmp19:
0xc2: {  	_ = 	snop;
	(pc) =	sbr.rel @p0 .LBB2_21-.Ltmp19, $1  }
0xc3: {  	_ =	sdelay $0x3  }
.Ltmp20:
0xc4: {  	_ = 	snop;
	(pc) =	sbr.rel .LBB2_22-.Ltmp20, $1  }
0xc5: {  	_ =	sdelay $0x3  }
.LBB2_23:
.Ltmp21:
0xc6: {  	s13 =	simm.s32 $0x0;
	(pc) =	sbr.rel .LBB2_24-.Ltmp21, $4  }
0xc7: {  	[tilespmem:s13], [sflag:$0x1] =	stream.linear.gather [hbm4b:s7+s13], $0x5DC0, $0x38;
	[tilespmem:$0x7E00] =	vst v63  }
0xc8: {  	_ =	swait.ge [sflag:s10], $0x5DC0  }
0xc9: {  	[sflag:s10] =	ssyncset.done $0x0  }
0xca: {  	[sflag:s10] =	ssyncadd.s32 $0xFFFFA240  }
.LBB2_27:
0xcb: {  	s13 =	sadd.s32 $0x1, s13  }
0xcc: {  	p0 =	sne.s32 s13, $0x1F4  }
.Ltmp22:
0xcd: {  	_ = 	snop;
	(pc) =	sbr.rel @!p0 .LBB2_28-.Ltmp22, $1  }
0xce: {  	_ =	sdelay $0x3  }
.LBB2_24:
0xcf: {  	s14 =	smul.u32 $0x30, s13;
	_ =	sdelay $0x1  }
0xd0: {  	v6 =	vadd.s32 s14, v3  }
0xd1: {  	v7 =	vadd.s32 s14, v4;
	_ =	sdelay $0x3  }
0xd2: {  	v8 =	vld.idx.msk [tilespmem:v6+s2+$0x0], $0xffff  }
0xd3: {  	v6 =	vld.idx.msk [tilespmem:v7+s2+$0x0], $0xffff;
	_ =	sdelay $0x4  }
0xd4: {  	v7 =	vshll.u32 v8, $0x9;
	v8 =	vadd.s32 v1, v6  }
0xd5: {  	v7 =	vadd.s32 v7, v8  }
0xd6: {  	vm0 =	vlt.u32 v7, $0x2000  }
0xd7: {  	v8 =	vsel vm0, $0x1, v5  }
0xd8: {  	v8 =	vor.u32 $0x80000000, v8  }
0xd9: {  	(xrf0) =	vmax.scan.msk.u32 $0xffff, v8;
	_ =	sdelay $0x5  }
0xda: {  	v8, _, _ =	vpop (xrf0)  }
0xdb: {  	(v2sf) =	vpush v8, $0xF;
	_ =	sdelay $0xe  }
0xdc: {  	s31 =	spop (v2sf)  }
0xdd: {  	p0 =	slt.u32 s31, $0x80000001  }
.Ltmp23:
0xde: {  	_ = 	snop;
	(pc) =	sbr.rel @p0 .LBB2_27-.Ltmp23, $1  }
0xdf: {  	_ =	sdelay $0x3  }
0xe0: {  	v7 =	vand.u32 $0xFFFFFF80, v7;
	v8 =	vand.u32 $0x7F, v6  }
0xe1: {  	v7 =	vor.u32 v8, v7;
	_ =	sdelay $0x1  }
0xe2: {  	s14 =	sshll.u32 s13, $0x4  }
0xe3: {  	s14 =	sadd.s32 $0x7D00, s14  }
0xe4: {  	v6 =	vor.u32 s14, v0  }
.LBB2_26:
0xe5: {  	[tilespmem:v7+s11+$0x0] =	vst.idx.msk vm0, v6  }
0xe6: {  	v8 =	vld.idx.msk [tilespmem:v7+s11+$0x0], vm0;
	_ =	sdelay $0x4  }
0xe7: {  	vm1 =	vlt.s32 v8, v6  }
0xe8: {  	vm0 =	vmand vm0, vm1  }
0xe9: {  	v8 =	vsel vm0, $0x1, v5  }
0xea: {  	v8 =	vor.u32 $0x80000000, v8  }
0xeb: {  	(xrf0) =	vmax.scan.msk.u32 $0xffff, v8;
	_ =	sdelay $0x5  }
0xec: {  	v8, _, _ =	vpop (xrf0)  }
0xed: {  	(v2sf) =	vpush v8, $0xF;
	_ =	sdelay $0xe  }
0xee: {  	s14 =	spop (v2sf)  }
0xef: {  	p0 =	sgt.u32 s14, $0x80000000  }
.Ltmp24:
0xf0: {  	_ = 	snop;
	(pc) =	sbr.rel @p0 .LBB2_26-.Ltmp24, $1  }
0xf1: {  	_ =	sdelay $0x3  }
.Ltmp25:
0xf2: {  	_ = 	snop;
	(pc) =	sbr.rel .LBB2_27-.Ltmp25, $1  }
0xf3: {  	_ =	sdelay $0x3  }
.LBB2_28:
0xf4: {  	s13 =	simm.s32 $0x0;
	s14 =	simm.s32 $0x40  }
.LBB2_29:
0xf5: {  	p0 =	sne.s32 s14, $0x7FC0;
	v6 =	vld [tilespmem:s13+$0x5E00];
	_ =	sdelay $0x2  }
.Ltmp26:
0xf6: {  	(pc) =	sbr.rel @p0 .LBB2_29-.Ltmp26, $4  }
0xf7: {  	_ = 	snop  }
0xf8: {  	vm0 =	vlt.s32 v6, $0x0  }
0xf9: {  	v6 =	vsel vm0, $0x9C40, v6  }
0xfa: {  	[tilespmem:s13+$0x5E00] =	vst v6;
	s13 =	sshra.s32 s14, $0x2;
	s14 =	sadd.s32 $0x40, s14  }
0xfb: {  	v6 =	vld [tilespmem:s13+$0x5E00];
	_ =	sdelay $0x4  }
0xfc: {  	s12 =	sadd.s32 $0x1, s12;
	vm0 =	vlt.s32 v6, $0x0  }
0xfd: {  	p0 =	sne.s32 s12, s9;
	v6 =	vsel vm0, $0x9C40, v6  }
.Ltmp27:
0xfe: {  	[tilespmem:s13+$0x5E00] =	vst v6;
	(pc) =	sbr.rel @p0 .LBB2_1-.Ltmp27, $4  }
0xff: {  	[hbm4b:s8+s2] =	stream.linear.scatter [tilespmem:s11], [sflag:$0x1], $0x2000, $0x38;
	[tilespmem:$0x7E00] =	vst v63  }
0x100: {  	_ =	swait.ge [sflag:s10], $0x2000  }
0x101: {  	[sflag:s10] =	ssyncset.done $0x0  }
0x102: {  	[sflag:s10] =	ssyncadd.s32 $0xFFFFE000  }
0x103: {  	_ =	sfence.sel $0x180000  }
0x104: {  	[bflag:$0x0] =	sbarrier.arrive $0xFFFF  }
0x105: {  	p0 =	sne.s32 s1, $0x0;
	_ =	strace $0x90000047  }
0x106: {  	s0 =	sadd.s32 @!p0 $0x100000, s0;
	[bflag:$0x2] =	sbarrier.arrive $0xFFFF  }
0x107: {  	[sflag:s0] =	ssyncadd.tile.s32 @!p0 $0x1;
	_ =	shalt  }
.Lfunc_end2:
_tile_overlayer_lowered:
.L_overlay_start_2:
0x108: {  	(tag) =	ssettag $0x2  }
0x109: {  	s0 =	rddreg [dreg:$0x0];
	s2 =	stileid.u32  }
0x10a: {  	s1 =	rddreg [dreg:$0x1];
	p0 =	sne.s32 s2, $0x0  }
0x10b: {  	s3 =	rddreg [dreg:$0x2];
	[bflag:$0x3] =	sbarrier.arrive $0xFFFF;
	s2 =	simm.s32 @!p0 $0x1C01  }
0x10c: {  	[timem:s3], [sflag:s2] =	dma.local @!p0 [hbm:s0], s1  }
0x10d: {  	s0 =	simm.s32 @!p0 $0x1  }
0x10e: {  	_ =	swait.ge @!p0 [sflag:s0], s1  }
0x10f: {  	s1 =	ssub.s32 @!p0 $0x0, s1;
	[sflag:s0] =	ssyncset.done @!p0 $0x0  }
0x110: {  	[sflag:s0] =	ssyncadd.s32 @!p0 s1  }
0x111: {  	[bflag:$0x3] =	sbarrier.arrive $0xFFFF  }
0x112: {  	_ =	shalt  }

// kernel: kernel.8.cloned.1.call-start
scs
__scs_entry_jumppad:
0x0: {  	(pc) =	sbr.rel $0x88, $3  }
0x1: {  	(tag) =	ssettag $0x0;
	lr =	simm.s32 $0x1  }
0x2: {  	[smem:$0x3F9F] =	sst lr;
	_ =	strace $0xD0000000  }
0x3: {  	_ = 	snop  }
0x4: {  	_ = 	snop  }
0x5: {  	_ = 	snop  }
0x6: {  	_ = 	snop  }
0x7: {  	_ = 	snop  }
__scs_overlays_trampoline_lowered:
0x8: {  	[smem:$0x3FAE] =	sst s0  }
0x9: {  	[smem:$0x3FAF] =	sst s1  }
0xa: {  	[smem:$0x3FB0] =	sst s2  }
0xb: {  	[smem:$0x3FB1] =	sst s3  }
0xc: {  	[smem:$0x3FB2] =	sst s4  }
0xd: {  	[smem:$0x3FB3] =	sst s5  }
0xe: {  	[smem:$0x3FB4] =	sst s6  }
0xf: {  	[smem:$0x3FB5] =	sst s7  }
0x10: {  	[smem:$0x3FB6] =	sst s8  }
0x11: {  	[smem:$0x3FB7] =	sst s9;
	s0 =	simm.s32 @!p0 $0x0  }
0x12: {  	s1 =	sld [smem:$0x3F9D];
	s0 =	simm.s32 @p0 $0x1  }
0x13: {  	[smem:$0x3FB8] =	sst s0;
	s0 =	simm.s32 @!p1 $0x0  }
0x14: {  	s2 =	sld [smem:$0x3F9C];
	s0 =	simm.s32 @p1 $0x1  }
0x15: {  	[smem:$0x3FB9] =	sst s0;
	s0 =	simm.s32 @!p2 $0x0  }
0x16: {  	s3 =	sld [smem:$0x3FDB];
	s0 =	simm.s32 @p2 $0x1  }
0x17: {  	s4 =	simm.s32 $0x1BF5;
	[smem:$0x3FBB] =	sst s0  }
0x18: {  	s0 =	sld [smem:$0x3F9E];
	_ =	swait.ge [sflag:s4], $0x0  }
0x19: {  	s7 =	sld [smem:$0x3F9F]  }
0x1a: {  	s8 =	sadd.s32 $0xFFFFE003, lr  }
0x1b: {  	s9 =	sadd.s32 $0xFFFFFEF7, lr;
	s5 =	simm.s32 $0xFFFFFFFF;
	p2 =	slt.u32 s8, $0xFFFFF086  }
0x1c: {  	p1 =	slt.u32 s9, $0xF7A;
	s5 =	simm.s32 @!p2 $0x0  }
0x1d: {  	s5 =	simm.s32 @p1 $0x1;
	p0 =	seq.s32 s7, s2  }
0x1e: {  	s7 =	smul.u32 @!p0 $0xF7A, s2;
	p2 =	seq.s32 @!p0 s5, $0x0  }
0x1f: {  	s9 =	smul.u32 $0xF7A, s1;
	s8 =	simm.s32 @!p0 $0x1BF5;
	p2 =	por !p2, p0  }
0x20: {  	[sflag:s8] =	ssyncset.s32 @!p0 $0xFFFFF086;
	s6 =	sadd.s32 @!p0 s3, s7;
	s7 =	simm.s32 @!p0 $0x108  }
0x21: {  	s3 =	sadd.s32 s3, s9;
	s6 =	sadd.s32 @!p0 $0x88, s6;
	s7 =	simm.s32 @p2 $0x1082  }
0x22: {  	[simem:s7], [sflag:s8] =	dma.local @!p0 [hbm:s6], $0xF7A  }
0x23: {  	s9 =	sor.u32 $0xD0000000, s2;
	s6 =	simm.s32 $0x108;
	_ =	swait.ge @!p0 [sflag:s8], $0x0  }
0x24: {  	s3 =	sadd.s32 $0x88, s3;
	s6 =	simm.s32 @!p1 $0x1082;
	[sflag:s4] =	ssyncset.s32 $0xFFFFF086  }
0x25: {  	[simem:s6], [sflag:s4] =	dma.local [hbm:s3], $0xF7A  }
0x26: {  	[smem:$0x3F9F] =	sst s1;
	(tag) =	ssettag s2;
	_ =	strace s9  }
0x27: {  	s1 =	sld [smem:$0x3FAF]  }
0x28: {  	s2 =	sld [smem:$0x3FB0]  }
0x29: {  	s4 =	sld [smem:$0x3FB2]  }
0x2a: {  	p0 =	seq.s32 s5, $0x0;
	s5 =	sld [smem:$0x3FB3]  }
0x2b: {  	s6 =	sld [smem:$0x3FB4]  }
0x2c: {  	s7 =	sld [smem:$0x3FB5]  }
0x2d: {  	s3 =	simm.s32 $0x108;
	s8 =	sld [smem:$0x3FB6]  }
0x2e: {  	s3 =	simm.s32 @!p0 $0x1082;
	s9 =	sld [smem:$0x3FB7]  }
0x2f: {  	lr =	sadd.s32 s0, s3;
	s0 =	sld [smem:$0x3FAE]  }
0x30: {  	s3 =	sld [smem:$0x3FB1]  }
0x31: {  	[smem:$0x3FBA] =	sst s10  }
0x32: {  	s10 =	sld [smem:$0x3FB8];
	_ =	sdelay $0x3  }
0x33: {  	p0 =	seq.s32 s10, $0x1;
	s10 =	sld [smem:$0x3FBA];
	_ =	sdelay $0x3  }
0x34: {  	[smem:$0x3FBA] =	sst s10  }
0x35: {  	s10 =	sld [smem:$0x3FB9];
	_ =	sdelay $0x3  }
0x36: {  	p1 =	seq.s32 s10, $0x1;
	s10 =	sld [smem:$0x3FBA];
	_ =	sdelay $0x3  }
0x37: {  	[smem:$0x3FBA] =	sst s10  }
0x38: {  	s10 =	sld [smem:$0x3FBB]  }
0x39: {  	_ = 	snop;
	(pc) =	sbr.ind lr, $3  }
0x3a: {  	_ = 	snop  }
0x3b: {  	_ = 	snop  }
0x3c: {  	p2 =	seq.s32 s10, $0x1;
	s10 =	sld [smem:$0x3FBA]  }
0x3d: {  	_ =	shalt  }
0x3e: {  	_ =	shalt  }
0x3f: {  	_ =	shalt  }
0x40: {  	_ =	shalt  }
0x41: {  	_ =	shalt  }
0x42: {  	_ =	shalt  }
0x43: {  	_ =	shalt  }
0x44: {  	_ =	shalt  }
0x45: {  	_ =	shalt  }
0x46: {  	_ =	shalt  }
0x47: {  	_ =	shalt  }
0x48: {  	_ =	shalt  }
0x49: {  	_ =	shalt  }
0x4a: {  	_ =	shalt  }
0x4b: {  	_ =	shalt  }
0x4c: {  	_ =	shalt  }
0x4d: {  	_ =	shalt  }
0x4e: {  	_ =	shalt  }
0x4f: {  	_ =	shalt  }
0x50: {  	_ =	shalt  }
0x51: {  	_ =	shalt  }
0x52: {  	_ =	shalt  }
0x53: {  	_ =	shalt  }
0x54: {  	_ =	shalt  }
0x55: {  	_ =	shalt  }
0x56: {  	_ =	shalt  }
0x57: {  	_ =	shalt  }
0x58: {  	_ =	shalt  }
0x59: {  	_ =	shalt  }
0x5a: {  	_ =	shalt  }
0x5b: {  	_ =	shalt  }
0x5c: {  	_ =	shalt  }
0x5d: {  	_ =	shalt  }
0x5e: {  	_ =	shalt  }
0x5f: {  	_ =	shalt  }
0x60: {  	_ =	shalt  }
0x61: {  	_ =	shalt  }
0x62: {  	_ =	shalt  }
0x63: {  	_ =	shalt  }
0x64: {  	_ =	shalt  }
0x65: {  	_ =	shalt  }
0x66: {  	_ =	shalt  }
0x67: {  	_ =	shalt  }
0x68: {  	_ =	shalt  }
0x69: {  	_ =	shalt  }
0x6a: {  	_ =	shalt  }
0x6b: {  	_ =	shalt  }
0x6c: {  	_ =	shalt  }
0x6d: {  	_ =	shalt  }
0x6e: {  	_ =	shalt  }
0x6f: {  	_ =	shalt  }
0x70: {  	_ =	shalt  }
0x71: {  	_ =	shalt  }
0x72: {  	_ =	shalt  }
0x73: {  	_ =	shalt  }
0x74: {  	_ =	shalt  }
0x75: {  	_ =	shalt  }
0x76: {  	_ =	shalt  }
0x77: {  	_ =	shalt  }
0x78: {  	_ =	shalt  }
0x79: {  	_ =	shalt  }
0x7a: {  	_ =	shalt  }
0x7b: {  	_ =	shalt  }
0x7c: {  	_ =	shalt  }
0x7d: {  	_ =	shalt  }
0x7e: {  	_ =	shalt  }
0x7f: {  	_ =	shalt  }
0x80: {  	_ =	shalt  }
0x81: {  	_ =	shalt  }
0x82: {  	_ =	shalt  }
0x83: {  	_ =	shalt  }
0x84: {  	_ =	shalt  }
0x85: {  	_ =	shalt  }
0x86: {  	_ =	shalt  }
0x87: {  	_ =	shalt  }
.Lfunc_end0:
.L_simem_size_0:
called_computation.2_lowered:
.L_overlay_start_0:
0x88: {  	s2 =	sld [smem:$0x3FD9]  }
0x89: {  	s3 =	sld [smem:$0x3FFE];
	_ =	sdelay $0x1  }
0x8a: {  	s1 =	srdreg.scid  }
0x8b: {  	s0 =	sand.u32 $0x1, s1  }
0x8c: {  	s17 =	sshll.u32 s0, $0xA;
	s2 =	sadd.s32 s3, s2  }
0x8d: {  	s2 =	sadd.s32 s2, s17  }
0x8e: {  	[smem:$0x3FC6] =	sst s2  }
0x8f: {  	_ = 	snop  }
0x90: {  	s2 =	sld [smem:$0x3FD0];
	(tm) =	ssettm $0x1  }
0x91: {  	s18 =	sld [smem:$0x3FFB];
	_ =	sdelay $0x3  }
0x92: {  	_ =	strace s18  }
0x93: {  	s3 =	sld [smem:$0x3FFC];
	_ =	sdelay $0x3  }
0x94: {  	_ =	strace s3  }
0x95: {  	s3 =	sld [smem:$0x3FFD];
	_ =	sdelay $0x3  }
0x96: {  	_ =	strace s3  }
0x97: {  	_ =	strace $0x8FFFFFFF  }
0x98: {  	s19 =	sld [smem:$0x3FDB];
	_ =	sdelay $0x1  }
0x99: {  	s4 =	simm.s32 $_scs_section_size  }
0x9a: {  	s5 =	simm.s32 $_size__tile_overlayer_lowered;
	s6 =	simm.s32 $_tile_overlayer_lowered  }
0x9b: {  	s22 =	simm.s32 $0x1BFF;
	s21 =	sshll.u32 s6, $0x1;
	s3 =	sadd.s32 s4, s19  }
0x9c: {  	s7 =	simm.s32 $0x0;
	s20 =	sshll.u32 s5, $0x1;
	s5 =	sadd.s32 s21, s3  }
0x9d: {  	[timem:s7], [sflag:s22] =	dma.local [hbm:s5], s20  }
0x9e: {  	_ =	swait.ge [sflag:s22], s20  }
0x9f: {  	s4 =	ssub.s32 $0x0, s20;
	[sflag:s22] =	ssyncset.done $0x0  }
0xa0: {  	[sflag:s22] =	ssyncadd.s32 s4;
	_ =	sdelay $0x1  }
0xa1: {  	s23 =	simm.s32 $0x1B8B  }
0xa2: {  	_ =	swait.ge [sflag:s23], $0x1  }
0xa3: {  	[sflag:s23] =	ssyncset.done $0x0  }
0xa4: {  	s25 =	simm.s32 $0x1B8E;
	s24 =	sld [smem:$0x3FFE];
	[sflag:s23] =	ssyncadd.s32 $0xFFFFFFFF  }
0xa5: {  	s26 =	simm.s32 $execute0_lowered;
	[smem:$0x3FD2] =	sst s25  }
0xa6: {  	s5 =	sshll.u32 s26, $0x1;
	_ =	strace $0x80000049;
	[dreg:$0x1] =	wrdreg $0xFFFFFFFF  }
0xa7: {  	s28 =	simm.s32 $_size_execute0_lowered;
	s3 =	sadd.s32 s3, s5;
	[dreg:$0x0] =	wrdreg $0x0  }
0xa8: {  	s5 =	sshll.u32 s28, $0x1;
	[dreg:$0x2] =	wrdreg s3  }
0xa9: {  	[dreg:$0x3] =	wrdreg s5  }
0xaa: {  	[dreg:$0x4] =	wrdreg $0xC0  }
0xab: {  	_ =	task [dreg:s7], $0x5FFFF  }
0xac: {  	[dreg:$0x1] =	wrdreg $0xFFFFFFFF  }
0xad: {  	[dreg:$0x0] =	wrdreg $0x60  }
0xae: {  	[dreg:$0x2] =	wrdreg s2  }
0xaf: {  	[dreg:$0x3] =	wrdreg s24  }
0xb0: {  	[dreg:$0x4] =	wrdreg $0x9  }
0xb1: {  	_ =	task.clear_ibuf [dreg:s7], $0x5FFFF;
	_ =	strace $0x90000049  }
0xb2: {  	s29 =	simm.s32 $0x9;
	_ =	strace $0x8000004B  }
0xb3: {  	_ =	swait.ge [sflag:s29], $0x1  }
0xb4: {  	[sflag:s29] =	ssyncadd.s32 $0xFFFFFFFF  }
0xb5: {  	_ =	strace $0x9000004B  }
0xb6: {  	_ =	sfence  }
0xb7: {  	s30 =	sld [smem:$0x0];
	_ =	sdelay $0x2  }
0xb8: {  	s31 =	sshll.u32 s1, $0xD;
	s1 =	sshrl.u32 s1, $0x2  }
0xb9: {  	s3 =	sand.u32 $0x4000, s31;
	s1 =	sadd.s32 s1, s30  }
0xba: {  	s0 =	sor.u32 s3, s0;
	s1 =	sshll.u32 s1, $0x11  }
0xbb: {  	s0 =	sor.u32 s1, s0  }
0xbc: {  	s0 =	sadd.s32 $0x8F2B, s0  }
0xbd: {  	[sflag:s0] =	ssyncadd.remote.s32 $0x1  }
0xbe: {  	_ =	sfence.sel $0xFFFF  }
0xbf: {  	[dreg:$0x0] =	wrdreg $0xFFFFFFFF;
	(pc) =	sbr.abs _section_cstart, $3  }
0xc0: {  	[dreg:$0x1] =	wrdreg $0xFFFFFFFF  }
0xc1: {  	_ =	task.clear_ibuf [dreg:s7], $0x2FFFF;
	_ =	strace $0x9FFFFFFF  }
0xc2: {  	(tm) =	ssettm $0x7FFFFFFF  }
0xc3: {  	_ =	shalt  }
tec
execute0_lowered:
.L_overlay_start_1:
0x0: {  	(tag) =	ssettag $0x1  }
0x1: {  	s8 =	rddreg [dreg:$0x0]  }
0x2: {  	s5 =	rddreg [dreg:$0x1]  }
0x3: {  	s0 =	rddreg [dreg:$0x2];
	s2 =	simm.s32 $0x0  }
0x4: {  	s3 =	srdreg.scid;
	s1 =	stileid.u32;
	s13 =	simm.s32 $0x1  }
0x5: {  	s14 =	simm.s32 $0xA000;
	s15 =	simm.s32 $0x14000;
	s16 =	simm.s32 $0x16000  }
0x6: {  	s17 =	simm.s32 $0x18000;
	s18 =	simm.s32 $0x0;
	[smem:$0x7FF] =	sst s2  }
0x7: {  	s6 =	sand.u32 $0x1, s3;
	s28 =	sshll.u32 s1, $0x9;
	s9 =	sshrl.u32 s1, $0x1  }
0x8: {  	s3 =	sadd.s32 $0x5600, s5;
	s5 =	sadd.s32 $0xD600, s5;
	_ =	strace $0x8000004A  }
0x9: {  	s4 =	sshll.u32 s6, $0x8;
	s7 =	sand.u32 $0x200, s28;
	s29 =	smul.u32 $0x50000, s9  }
0xa: {  	s10 =	ssub.s32 $0x2, s6;
	s9 =	sshll.u32 s9, $0x15;
	s4 =	sor.u32 s4, s7  }
0xb: {  	s11 =	sshrl.u32 s10, $0x1;
	s6 =	sor.u32 $0x80, s4;
	s12 =	sor.u32 s29, s4  }
0xc: {  	s10 =	ssub.s32 s10, s11;
	s11 =	simm.s32 $0x80;
	s7 =	sor.u32 s29, s6  }
0xd: {  	s30 =	sshrl.u32 s12, $0x3;
	s10 =	smax.u32 s10, $0x1;
	s31 =	sshrl.u32 s7, $0x3  }
0xe: {  	s12 =	simm.s32 $0x400;
	s7 =	sadd.s32 s8, s30;
	s8 =	sadd.s32 s8, s31  }
.LBB2_1:
0xf: {  	[tilespmem:s2], [sflag:$0x1] =	stream.strided.gather [hbm4b:s7+s11], $0xA000, s12, s11, $0x38;
	[tilespmem:$0x1A000] =	vst v63  }
0x10: {  	_ =	swait.ge [sflag:s13], $0xA000  }
0x11: {  	[sflag:s13] =	ssyncset.done $0x0  }
0x12: {  	[sflag:s13] =	ssyncadd.s32 $0xFFFF6000  }
0x13: {  	[tilespmem:s14], [sflag:$0x1] =	stream.strided.gather [hbm4b:s8+s11], $0xA000, s12, s11, $0x38;
	[tilespmem:$0x1A000] =	vst v63  }
0x14: {  	_ =	swait.ge [sflag:s13], $0xA000  }
0x15: {  	[sflag:s13] =	ssyncset.done $0x0  }
0x16: {  	s19 =	simm.s32 $0x0;
	[sflag:s13] =	ssyncadd.s32 $0xFFFF6000  }
.LBB2_2:
0x17: {  	s20 =	sshll.u32 s19, $0xA  }
0x18: {  	s21 =	simm.s32 $0x0;
	s20 =	sadd.s32 s3, s20  }
0x19: {  	[tilespmem:s15], [sflag:$0x1] =	stream.linear.gather [hbm4b:s20+s21], $0x2000, $0x38;
	[tilespmem:$0x1A000] =	vst v63  }
0x1a: {  	_ =	swait.ge [sflag:s13], $0x2000  }
0x1b: {  	[sflag:s13] =	ssyncset.done $0x0  }
0x1c: {  	s20 =	simm.s32 $0x0;
	[sflag:s13] =	ssyncadd.s32 $0xFFFFE000  }
0x1d: {  	v0 =	vld [tilespmem:s20+$0x14000];
	_ =	sdelay $0x7  }
0x1e: {  	v1 =	vld.idx.msk [tilespmem:v0+s2+$0x0], $0xffff;
	_ =	sdelay $0x3  }
0x1f: {  	s22 =	simm.s32 $0x80;
	s21 =	simm.s32 $0x10  }
.LBB2_3:
0x20: {  	p0 =	sne.s32 s22, $0x7FC0;
	v2 =	vld [tilespmem:s21+$0x14000];
	[tilespmem:s20+$0x16000] =	vst v1  }
0x21: {  	v1 =	vld.idx.msk [tilespmem:v0+s14+$0x0], $0xffff;
	_ =	sdelay $0x3  }
0x22: {  	v0 =	vmov v2;
	_ =	sdelay $0x1  }
0x23: {  	[tilespmem:s20+$0x18000] =	vst v1;
	s20 =	smov.u32 s21  }
0x24: {  	v1 =	vld.idx.msk [tilespmem:v2+s2+$0x0], $0xffff  }
.Ltmp0:
0x25: {  	(pc) =	sbr.rel @p0 .LBB2_3-.Ltmp0, $2  }
0x26: {  	_ =	sdelay $0x2  }
0x27: {  	s21 =	sshra.s32 s22, $0x2;
	s22 =	sadd.s32 $0x40, s22  }
0x28: {  	_ =	sdelay $0x1  }
0x29: {  	v2 =	vld [tilespmem:s21+$0x14000]  }
0x2a: {  	[tilespmem:s20+$0x16000] =	vst v1  }
0x2b: {  	v0 =	vld.idx.msk [tilespmem:v0+s14+$0x0], $0xffff;
	_ =	sdelay $0x4  }
0x2c: {  	[tilespmem:s20+$0x18000] =	vst v0  }
0x2d: {  	v0 =	vld.idx.msk [tilespmem:v2+s2+$0x0], $0xffff;
	_ =	sdelay $0x4  }
0x2e: {  	[tilespmem:s21+$0x16000] =	vst v0  }
0x2f: {  	v0 =	vld.idx.msk [tilespmem:v2+s14+$0x0], $0xffff  }
0x30: {  	s30 =	sshll.u32 s19, $0x10  }
0x31: {  	s20 =	sadd.s32 s9, s30  }
0x32: {  	s22 =	sor.u32 s4, s20  }
0x33: {  	s22 =	sshrl.u32 s22, $0x3  }
0x34: {  	s31 =	sadd.s32 s5, s22;
	[tilespmem:s21+$0x18000] =	vst v0  }
0x35: {  	[hbm4b:s31+s11] =	stream.strided.scatter [tilespmem:s16], [sflag:$0x1], $0x2000, s12, s11, $0x38;
	[tilespmem:$0x1A000] =	vst v63  }
0x36: {  	s19 =	sadd.s32 $0x1, s19;
	s20 =	sor.u32 s6, s20;
	_ =	swait.ge [sflag:s13], $0x2000  }
0x37: {  	p0 =	sne.s32 s19, $0x20;
	s20 =	sshrl.u32 s20, $0x3;
	[sflag:s13] =	ssyncset.done $0x0  }
.Ltmp1:
0x38: {  	s20 =	sadd.s32 s5, s20;
	[sflag:s13] =	ssyncadd.s32 $0xFFFFE000;
	(pc) =	sbr.rel @p0 .LBB2_2-.Ltmp1, $4  }
0x39: {  	[hbm4b:s20+s11] =	stream.strided.scatter [tilespmem:s17], [sflag:$0x1], $0x2000, s12, s11, $0x38;
	[tilespmem:$0x1A000] =	vst v63  }
0x3a: {  	_ =	swait.ge [sflag:s13], $0x2000  }
0x3b: {  	[sflag:s13] =	ssyncset.done $0x0  }
0x3c: {  	[sflag:s13] =	ssyncadd.s32 $0xFFFFE000  }
0x3d: {  	s18 =	sadd.s32 $0x1, s18  }
0x3e: {  	p0 =	sne.s32 s18, s10  }
.Ltmp2:
0x3f: {  	_ = 	snop;
	(pc) =	sbr.rel @p0 .LBB2_1-.Ltmp2, $1  }
0x40: {  	_ =	sdelay $0x3  }
0x41: {  	_ =	sfence.sel $0x180000  }
0x42: {  	[bflag:$0x0] =	sbarrier.arrive $0xFFFF  }
0x43: {  	p0 =	sne.s32 s1, $0x0;
	_ =	strace $0x9000004A  }
0x44: {  	s0 =	sadd.s32 @!p0 $0x100000, s0;
	[bflag:$0x2] =	sbarrier.arrive $0xFFFF  }
0x45: {  	[sflag:s0] =	ssyncadd.tile.s32 @!p0 $0x1;
	_ =	shalt  }
.Lfunc_end2:
_tile_overlayer_lowered:
.L_overlay_start_2:
0x46: {  	(tag) =	ssettag $0x2  }
0x47: {  	s0 =	rddreg [dreg:$0x0];
	s2 =	stileid.u32  }
0x48: {  	s1 =	rddreg [dreg:$0x1];
	p0 =	sne.s32 s2, $0x0  }
0x49: {  	s3 =	rddreg [dreg:$0x2];
	[bflag:$0x3] =	sbarrier.arrive $0xFFFF;
	s2 =	simm.s32 @!p0 $0x1C01  }
0x4a: {  	[timem:s3], [sflag:s2] =	dma.local @!p0 [hbm:s0], s1  }
0x4b: {  	s0 =	simm.s32 @!p0 $0x1  }
0x4c: {  	_ =	swait.ge @!p0 [sflag:s0], s1  }
0x4d: {  	s1 =	ssub.s32 @!p0 $0x0, s1;
	[sflag:s0] =	ssyncset.done @!p0 $0x0  }
0x4e: {  	[sflag:s0] =	ssyncadd.s32 @!p0 s1  }
0x4f: {  	[bflag:$0x3] =	sbarrier.arrive $0xFFFF  }
0x50: {  	_ =	shalt  }

// kernel: sparse-core-data-format-call.cloned.1.call-start
scs
called_computation_lowered:
.L_overlay_start_0:
0x0: {  	s2 =	sld [smem:$0x3FD9]  }
0x1: {  	s3 =	sld [smem:$0x3FFE];
	_ =	sdelay $0x1  }
0x2: {  	s1 =	srdreg.scid  }
0x3: {  	s0 =	sand.u32 $0x1, s1  }
0x4: {  	s18 =	sshll.u32 s0, $0xA;
	s2 =	sadd.s32 s3, s2  }
0x5: {  	s2 =	sadd.s32 s2, s18  }
0x6: {  	[smem:$0x3FC6] =	sst s2  }
0x7: {  	_ = 	snop  }
0x8: {  	s2 =	sld [smem:$0x3FD0];
	(tm) =	ssettm $0x1  }
0x9: {  	s19 =	sld [smem:$0x3FFB];
	_ =	sdelay $0x3  }
0xa: {  	_ =	strace s19  }
0xb: {  	s3 =	sld [smem:$0x3FFC];
	_ =	sdelay $0x3  }
0xc: {  	_ =	strace s3  }
0xd: {  	s3 =	sld [smem:$0x3FFD];
	_ =	sdelay $0x3  }
0xe: {  	_ =	strace s3  }
0xf: {  	_ =	strace $0x8FFFFFFF  }
0x10: {  	s20 =	sld [smem:$0x3FDB];
	_ =	sdelay $0x1  }
0x11: {  	s4 =	simm.s32 $_scs_section_size  }
0x12: {  	s5 =	simm.s32 $_size__tile_overlayer_lowered;
	s6 =	simm.s32 $_tile_overlayer_lowered  }
0x13: {  	s23 =	simm.s32 $0x1BFF;
	s22 =	sshll.u32 s6, $0x1;
	s3 =	sadd.s32 s4, s20  }
0x14: {  	s7 =	simm.s32 $0x0;
	s21 =	sshll.u32 s5, $0x1;
	s5 =	sadd.s32 s22, s3  }
0x15: {  	[timem:s7], [sflag:s23] =	dma.local [hbm:s5], s21  }
0x16: {  	_ =	swait.ge [sflag:s23], s21  }
0x17: {  	s4 =	ssub.s32 $0x0, s21;
	[sflag:s23] =	ssyncset.done $0x0  }
0x18: {  	[sflag:s23] =	ssyncadd.s32 s4;
	_ =	sdelay $0x1  }
0x19: {  	s24 =	simm.s32 $0x1B8B  }
0x1a: {  	_ =	swait.ge [sflag:s24], $0x1  }
0x1b: {  	[sflag:s24] =	ssyncset.done $0x0  }
0x1c: {  	s26 =	simm.s32 $0x1B8E;
	s25 =	sld [smem:$0x3FFE];
	[sflag:s24] =	ssyncadd.s32 $0xFFFFFFFF  }
0x1d: {  	s27 =	simm.s32 $execute0_lowered;
	[smem:$0x3FD2] =	sst s26  }
0x1e: {  	s5 =	sshll.u32 s27, $0x1;
	_ =	strace $0x8000004C;
	[dreg:$0x1] =	wrdreg $0xFFFFFFFF  }
0x1f: {  	s28 =	simm.s32 $_size_execute0_lowered;
	s3 =	sadd.s32 s3, s5;
	[dreg:$0x0] =	wrdreg $0x0  }
0x20: {  	s5 =	sshll.u32 s28, $0x1;
	[dreg:$0x2] =	wrdreg s3  }
0x21: {  	[dreg:$0x3] =	wrdreg s5  }
0x22: {  	[dreg:$0x4] =	wrdreg $0xC0  }
0x23: {  	_ =	task [dreg:s7], $0x5FFFF  }
0x24: {  	[dreg:$0x1] =	wrdreg $0xFFFFFFFF  }
0x25: {  	[dreg:$0x0] =	wrdreg $0x60  }
0x26: {  	[dreg:$0x2] =	wrdreg s25  }
0x27: {  	[dreg:$0x3] =	wrdreg s2  }
0x28: {  	[dreg:$0x4] =	wrdreg $0x9  }
0x29: {  	_ =	task.clear_ibuf [dreg:s7], $0x5FFFF;
	_ =	strace $0x9000004C  }
0x2a: {  	s29 =	simm.s32 $0x9;
	_ =	strace $0x8000004E  }
0x2b: {  	_ =	swait.ge [sflag:s29], $0x1  }
0x2c: {  	[sflag:s29] =	ssyncadd.s32 $0xFFFFFFFF  }
0x2d: {  	_ =	strace $0x9000004E  }
0x2e: {  	_ =	sfence  }
0x2f: {  	s30 =	sld [smem:$0x0];
	_ =	sdelay $0x2  }
0x30: {  	s31 =	sshll.u32 s1, $0xD;
	s1 =	sshrl.u32 s1, $0x2  }
0x31: {  	s3 =	sand.u32 $0x4000, s31;
	s1 =	sadd.s32 s1, s30  }
0x32: {  	s0 =	sor.u32 s3, s0;
	s1 =	sshll.u32 s1, $0x11  }
0x33: {  	s0 =	sor.u32 s1, s0  }
0x34: {  	s0 =	sadd.s32 $0x8F2B, s0  }
0x35: {  	[sflag:s0] =	ssyncadd.remote.s32 $0x1  }
0x36: {  	_ =	sfence.sel $0xFFFF  }
0x37: {  	[dreg:$0x0] =	wrdreg $0xFFFFFFFF;
	(pc) =	sbr.abs _section_cstart, $3  }
0x38: {  	[dreg:$0x1] =	wrdreg $0xFFFFFFFF  }
0x39: {  	_ =	task.clear_ibuf [dreg:s7], $0x2FFFF;
	_ =	strace $0x9FFFFFFF  }
0x3a: {  	(tm) =	ssettm $0x7FFFFFFF  }
0x3b: {  	_ =	shalt  }
tec
execute0_lowered:
.L_overlay_start_1:
0x0: {  	(tag) =	ssettag $0x1  }
0x1: {  	s0 =	srdreg.scid  }
0x2: {  	s5 =	stileid.u32;
	s1 =	rddreg [dreg:$0x0]  }
0x3: {  	s2 =	rddreg [dreg:$0x1];
	_ =	strace $0x8000004D;
	s6 =	simm.s32 $0x1  }
0x4: {  	s7 =	simm.s32 $0x2;
	s16 =	simm.s32 $0x0;
	s9 =	simm.s32 $0x40000  }
0x5: {  	s10 =	simm.s32 $0x0;
	s17 =	simm.s32 $0x0;
	s0 =	sshll.u32 s0, $0x4  }
0x6: {  	s19 =	simm.s32 $0x0;
	s18 =	simm.s32 $0x0;
	s0 =	sor.u32 s5, s0  }
0x7: {  	s11 =	simm.s32 $0x0;
	s12 =	simm.s32 $0x0;
	s3 =	sand.u32 $0x18, s0  }
0x8: {  	s15 =	simm.s32 $0x0;
	s25 =	simm.s32 $0x0;
	s0 =	ssub.s32 $0x200, s3  }
.Ltmp0:
0x9: {  	s4 =	sadd.s32 $0xD600, s1;
	s31 =	sand.u32 $0x18, s0;
	(pc) =	sbr.rel .LBB1_1-.Ltmp0, $4  }
0xa: {  	s1 =	simm.s32 $0x1;
	[sflag:s6] =	ssyncpa.u1 $0x0;
	p0 =	sne.s32 s31, $0x0  }
0xb: {  	s5 =	sand.u32 $0x7, s5;
	s0 =	sshrl.u32 s0, $0x5;
	s1 =	simm.s32 @!p0 $0x0  }
0xc: {  	[sflag:s7] =	ssyncpa.u1 $0x0;
	s14 =	smov.u32 s5;
	s0 =	sadd.s32 s1, s0  }
0xd: {  	s13 =	smov.u32 s3;
	s7 =	sshll.u32 s0, $0x1;
	s8 =	sshllo.u32 s0, $0x1  }
.LBB1_7:
0xe: {  	s0 =	sadd.s32 $0x100, s11  }
0xf: {  	s1 =	sadd.s32 $0x8, s12;
	s20 =	smov.u32 s12;
	p1 =	sgt.s32 s0, $0x1FF  }
0x10: {  	s20 =	smov.u32 @p1 s1  }
0x11: {  	s21 =	smov.u32 s13;
	s1 =	sadd.s32 $0x20, s13;
	p2 =	sgt.s32 s20, $0x7  }
0x12: {  	s21 =	smov.u32 @p2 s1  }
0x13: {  	s22 =	smov.u32 s14;
	s1 =	sadd.s32 $0x8, s14;
	p3 =	sgt.s32 s21, $0x1FF  }
0x14: {  	p0 =	slt.u32 s15, $0x2;
	s22 =	smov.u32 @p3 s1  }
0x15: {  	s16 =	smov.u32 s11;
	s0 =	simm.s32 @p1 $0x0;
	p1 =	sgt.s32 s22, $0x7  }
0x16: {  	s17 =	smov.u32 s12;
	s22 =	smov.u32 @p1 s5;
	p1 =	sne.s32 s15, s8  }
.Ltmp1:
0x17: {  	s19 =	smov.u32 s13;
	s18 =	smov.u32 s14;
	(pc) =	sbr.rel @!p1 .LBB1_8-.Ltmp1, $4  }
0x18: {  	s10 =	sadd.s32 $0x4000, s10;
	s11 =	smov.u32 s0;
	s1 =	simm.s32 @!p0 $0x2  }
0x19: {  	s20 =	simm.s32 @p2 $0x0;
	s21 =	smov.u32 @p3 s3;
	_ =	swait.ge @!p0 [sflag:s1], $0x4000  }
0x1a: {  	s12 =	smov.u32 s20;
	s13 =	smov.u32 s21;
	[sflag:s1] =	ssyncset.done @!p0 $0x0  }
0x1b: {  	s15 =	sadd.s32 $0x1, s15;
	[sflag:s1] =	ssyncadd.s32 @!p0 $0xFFFFC000;
	s14 =	smov.u32 s22  }
.LBB1_1:
0x1c: {  	p0 =	sge.u32 s15, s7  }
0x1d: {  	s31 =	sadd.s32 $0xFFFFFFFF, s15;
	s0 =	sxor.u32 @!p0 $0xFFFFFFFF, s15;
	s1 =	sshll.u32 @!p0 s11, $0x3  }
0x1e: {  	s20 =	sshll.u32 @!p0 s12, $0x7;
	s21 =	sand.u32 @!p0 $0x78, s11;
	s22 =	sshll.u32 @!p0 s14, $0x12  }
0x1f: {  	s23 =	sshll.u32 @!p0 s13, $0x9;
	s0 =	sshll.u32 @!p0 s0, $0xE;
	s20 =	sand.u32 @!p0 $0x380, s20  }
0x20: {  	s1 =	sand.u32 @!p0 $0xC00, s1;
	s0 =	sand.u32 @!p0 $0x4000, s0;
	s20 =	sor.u32 @!p0 s21, s20  }
0x21: {  	s21 =	sand.u32 @!p0 $0x7, s11;
	s1 =	sor.u32 @!p0 s1, s20;
	s20 =	sadd.s32 @!p0 s4, s22  }
0x22: {  	s21 =	sshll.u32 @!p0 s21, $0x12;
	s1 =	sshrl.u32 @!p0 s1, $0x3;
	s20 =	sadd.s32 @!p0 s23, s20  }
0x23: {  	s1 =	sadd.s32 @!p0 s1, s20;
	s20 =	sor.u32 @!p0 $0x800, s21;
	s21 =	simm.s32 @!p0 $0x1000  }
0x24: {  	[tilespmem:s0], [sflag:$0x1] =	stream.strided.gather @!p0 [hbm4b:s1+s20], $0x4000, s21, s20, $0x38;
	[tilespmem:$0x10000] =	vst v63  }
0x25: {  	p0 =	sge.u32 s31, s7  }
.Ltmp2:
0x26: {  	_ = 	snop;
	(pc) =	sbr.rel @p0 .LBB1_7-.Ltmp2, $1  }
0x27: {  	_ =	sdelay $0x3  }
0x28: {  	s0 =	sshll.u32 s10, $0x2;
	_ =	swait.ge [sflag:s6], $0x4000;
	s1 =	sshll.u32 s15, $0xE  }
0x29: {  	p0 =	por $0x0, $0x0;
	s26 =	simm.s32 $0x0;
	s27 =	simm.s32 $0x0  }
0x2a: {  	s0 =	sand.u32 $0x10000, s0;
	[sflag:s6] =	ssyncset.done $0x0;
	s23 =	sand.u32 $0x4000, s1  }
0x2b: {  	s0 =	sshrl.u32 s0, $0x2;
	[sflag:s6] =	ssyncadd.s32 $0xFFFFC000;
	s20 =	sor.u32 $0x8000, s23  }
0x2c: {  	s21 =	sor.u32 $0x40, s0;
	s22 =	sor.u32 $0x8410, s0;
	s24 =	sadd.s32 $0x8400, s0  }
.LBB1_3:
0x2d: {  	v1 =	vld [tilespmem:s21+$0xFFFFFFD0]  }
0x2e: {  	v2 =	vld [tilespmem:s21+$0x430]  }
0x2f: {  	s0 =	sshll.u32 s27, $0xB;
	v4 =	vld [tilespmem:s21+$0xFFFFFFE0]  }
0x30: {  	v7 =	vld [tilespmem:s21+$0xFFFFFFF0];
	v0 =	vmov s0  }
0x31: {  	v8 =	vld [tilespmem:s21+$0x0]  }
0x32: {  	v9 =	vld [tilespmem:s21+$0x10];
	s0 =	sand.u32 $0x300, s25  }
0x33: {  	s1 =	sand.u32 $0x80, s25;
	v10 =	vld [tilespmem:s21+$0x20];
	s0 =	sadd.s32 s0, s23  }
0x34: {  	v11 =	vld [tilespmem:s21+$0x30];
	s0 =	sadd.s32 s1, s0;
	s1 =	simm.s32 $0x1;
	[tilespmem:s22+$0x60] =	vst v2  }
0x35: {  	s1 =	simm.s32 @!p0 $0x0;
	[tilespmem:s22+$0xFFFFFC00] =	vst v1;
	v3 =	vld.idx.msk [tilespmem:v0+s0+$0x400 ss:$0x1], $0xffff;
	s0 =	sshll.u32 s26, $0x2  }
0x36: {  	v6 =	vld [tilespmem:s21+$0x3D0];
	s1 =	sshll.u32 s1, $0x9;
	[tilespmem:s22+$0xFFFFFC10] =	vst v4;
	s0 =	sand.u32 $0xFFFFFC00, s0  }
0x37: {  	v5 =	vld [tilespmem:s21+$0x3E0];
	[tilespmem:s22+$0xFFFFFC20] =	vst v7;
	s0 =	sor.u32 s1, s0  }
0x38: {  	[tilespmem:s22+$0xFFFFFC30] =	vst v8;
	v4 =	vld [tilespmem:s21+$0x400];
	s0 =	sshrl.u32 s0, $0x2  }
0x39: {  	[tilespmem:s22+$0xFFFFFC40] =	vst v9;
	v1 =	vld [tilespmem:s21+$0x410];
	s28 =	sadd.s32 s0, s24  }
0x3a: {  	[tilespmem:s28+$0x0] =	vst v3;
	v3 =	vld [tilespmem:s21+$0x3F0]  }
0x3b: {  	s31 =	simm.s32 $0x100;
	[tilespmem:s22+$0xFFFFFC50] =	vst v10;
	v2 =	vld [tilespmem:s21+$0x420];
	s1 =	simm.s32 $0x80  }
0x3c: {  	s29 =	sadd.s32 $0x80, s21;
	s30 =	smov.u32 s22;
	v7 =	vld [tilespmem:s21+$0xFFFFFFC0];
	[tilespmem:s22+$0xFFFFFC60] =	vst v11;
	s0 =	sand.u32 $0x300, s1  }
.LBB1_4:
0x3d: {  	p1 =	sne.s32 s31, $0x380;
	v8 =	vld [tilespmem:s29+$0xFFFFFFD0];
	s1 =	sand.u32 $0x80, s1;
	s0 =	sadd.s32 s0, s23;
	[tilespmem:s30+$0x0] =	vst v6  }
0x3e: {  	s0 =	sadd.s32 s1, s0;
	v6 =	vld [tilespmem:s29+$0x430];
	[tilespmem:s30+$0x10] =	vst v5;
	s1 =	smov.u32 s31  }
0x3f: {  	v5 =	vld.idx.msk [tilespmem:v0+s0+$0x400 ss:$0x1], $0xffff;
	[tilespmem:s30+$0x20] =	vst v3  }
0x40: {  	v3 =	vld [tilespmem:s29+$0xFFFFFFE0];
	[tilespmem:s30+$0x30] =	vst v4  }
0x41: {  	v4 =	vld [tilespmem:s29+$0xFFFFFFF0];
	[tilespmem:s30+$0xFFFFFBF0] =	vst v7  }
0x42: {  	v7 =	vld [tilespmem:s29+$0x0];
	[tilespmem:s30+$0x40] =	vst v1  }
0x43: {  	v1 =	vld [tilespmem:s29+$0x10];
	[tilespmem:s30+$0x50] =	vst v2;
	s30 =	sadd.s32 $0x800, s30  }
0x44: {  	s28 =	sadd.s32 $0x800, s28;
	v2 =	vld [tilespmem:s29+$0x20];
	[tilespmem:s30+$0x60] =	vst v6  }
0x45: {  	v9 =	vld [tilespmem:s29+$0x30];
	[tilespmem:s28+$0x0] =	vst v5  }
0x46: {  	[tilespmem:s30+$0xFFFFFC00] =	vst v8;
	v6 =	vld [tilespmem:s29+$0x3D0]  }
0x47: {  	[tilespmem:s30+$0xFFFFFC10] =	vst v3;
	v5 =	vld [tilespmem:s29+$0x3E0]  }
.Ltmp3:
0x48: {  	[tilespmem:s30+$0xFFFFFC20] =	vst v4;
	v3 =	vld [tilespmem:s29+$0x3F0];
	(pc) =	sbr.rel @p1 .LBB1_4-.Ltmp3, $4  }
0x49: {  	[tilespmem:s30+$0xFFFFFC30] =	vst v7;
	v4 =	vld [tilespmem:s29+$0x400]  }
0x4a: {  	[tilespmem:s30+$0xFFFFFC40] =	vst v1;
	v1 =	vld [tilespmem:s29+$0x410]  }
0x4b: {  	[tilespmem:s30+$0xFFFFFC50] =	vst v2;
	v2 =	vld [tilespmem:s29+$0x420]  }
0x4c: {  	s31 =	sadd.s32 $0x80, s31;
	s0 =	sand.u32 $0x300, s1;
	v7 =	vld [tilespmem:s29+$0xFFFFFFC0];
	[tilespmem:s30+$0xFFFFFC60] =	vst v9;
	s29 =	sadd.s32 $0x80, s29  }
0x4d: {  	[tilespmem:s30+$0x0] =	vst v6  }
0x4e: {  	[tilespmem:s30+$0x10] =	vst v5  }
0x4f: {  	v49 =	vld [tilespmem:s29+$0x430];
	[tilespmem:s30+$0x20] =	vst v3  }
0x50: {  	v50 =	vld [tilespmem:s29+$0xFFFFFFD0];
	[tilespmem:s30+$0x30] =	vst v4  }
0x51: {  	v51 =	vld [tilespmem:s29+$0xFFFFFFE0];
	[tilespmem:s30+$0x40] =	vst v1  }
0x52: {  	v52 =	vld [tilespmem:s29+$0xFFFFFFF0];
	[tilespmem:s30+$0x50] =	vst v2  }
0x53: {  	v53 =	vld [tilespmem:s29+$0x0];
	[tilespmem:s30+$0xFFFFFBF0] =	vst v7;
	s30 =	sadd.s32 $0x800, s30  }
0x54: {  	v54 =	vld [tilespmem:s29+$0x10];
	[tilespmem:s30+$0x60] =	vst v49  }
0x55: {  	v55 =	vld [tilespmem:s29+$0x20];
	[tilespmem:s30+$0xFFFFFC00] =	vst v50  }
0x56: {  	v56 =	vld [tilespmem:s29+$0x30];
	[tilespmem:s30+$0xFFFFFC10] =	vst v51  }
0x57: {  	v57 =	vld [tilespmem:s29+$0x3D0];
	[tilespmem:s30+$0xFFFFFC20] =	vst v52  }
0x58: {  	v58 =	vld [tilespmem:s29+$0x3E0];
	[tilespmem:s30+$0xFFFFFC30] =	vst v53  }
0x59: {  	v59 =	vld [tilespmem:s29+$0x3F0];
	[tilespmem:s30+$0xFFFFFC40] =	vst v54  }
0x5a: {  	v60 =	vld [tilespmem:s29+$0x400];
	[tilespmem:s30+$0xFFFFFC50] =	vst v55  }
0x5b: {  	v61 =	vld [tilespmem:s29+$0xFFFFFFC0];
	[tilespmem:s30+$0xFFFFFC60] =	vst v56  }
0x5c: {  	s1 =	sand.u32 $0x80, s1;
	s0 =	sadd.s32 s0, s23;
	v62 =	vld [tilespmem:s29+$0x410];
	[tilespmem:s30+$0x0] =	vst v57  }
0x5d: {  	v63 =	vld [tilespmem:s29+$0x420];
	s27 =	sadd.s32 $0x1, s27;
	s0 =	sadd.s32 s1, s0;
	[tilespmem:s30+$0x10] =	vst v58  }
0x5e: {  	p1 =	sne.s32 s27, $0x8;
	v0 =	vld.idx.msk [tilespmem:v0+s0+$0x400 ss:$0x1], $0xffff;
	[tilespmem:s30+$0x20] =	vst v59  }
.Ltmp4:
0x5f: {  	[tilespmem:s30+$0x30] =	vst v60;
	(pc) =	sbr.rel @p1 .LBB1_3-.Ltmp4, $4  }
0x60: {  	[tilespmem:s30+$0xFFFFFBF0] =	vst v61  }
0x61: {  	[tilespmem:s30+$0x40] =	vst v62  }
0x62: {  	s31 =	sadd.s32 $0x800, s28;
	s21 =	sadd.s32 $0x800, s21;
	[tilespmem:s30+$0x50] =	vst v63  }
0x63: {  	s26 =	sadd.s32 $0x80, s26;
	p0 =	por !p0, !p0;
	s22 =	sadd.s32 $0x80, s22;
	[tilespmem:s31+$0x0] =	vst v0  }
0x64: {  	s0 =	sand.u32 $0x78, s16  }
0x65: {  	s1 =	sshll.u32 s19, $0x9;
	s21 =	sshll.u32 s16, $0x3;
	s28 =	sshll.u32 s19, $0x7  }
0x66: {  	s18 =	sshll.u32 s18, $0x12;
	s17 =	sshll.u32 s17, $0xF;
	s30 =	sand.u32 $0x7, s16  }
0x67: {  	s1 =	sand.u32 $0x3F000, s1;
	s21 =	sand.u32 $0x3FC00, s21;
	s29 =	sand.u32 $0x200, s28  }
0x68: {  	s19 =	sand.u32 $0x180, s28;
	s18 =	sadd.s32 s2, s18;
	s1 =	sadd.s32 s1, s21  }
.Ltmp5:
0x69: {  	s0 =	sor.u32 s19, s0;
	s1 =	sor.u32 s29, s1;
	(pc) =	sbr.rel .LBB1_7-.Ltmp5, $4  }
0x6a: {  	s17 =	sadd.s32 s17, s18;
	s0 =	sshrl.u32 s0, $0x3;
	s1 =	sshrl.u32 s1, $0x3  }
0x6b: {  	s16 =	sshll.u32 s30, $0x12;
	s0 =	sadd.s32 s0, s17;
	s1 =	sand.u32 $0x7FC0, s1  }
0x6c: {  	s31 =	sor.u32 $0x800, s16;
	s0 =	sadd.s32 s1, s0  }
0x6d: {  	[hbm4b:s0+s31] =	stream.strided.scatter [tilespmem:s20], [sflag:$0x2], $0x4000, s9, s31, $0x38;
	[tilespmem:$0x10000] =	vst v63  }
.LBB1_8:
0x6e: {  	_ =	sfence.sel $0x180000  }
0x6f: {  	s0 =	simm.s32 $0x1;
	[bflag:$0x0] =	sbarrier.arrive $0xFFFF  }
0x70: {  	s30 =	simm.s32 $0x2;
	[sflag:s0] =	ssyncpa.u1 $0x1  }
0x71: {  	[sflag:s30] =	ssyncpa.u1 $0x1  }
0x72: {  	_ =	strace $0x9000004D  }
0x73: {  	s31 =	stileid.u32;
	[bflag:$0x2] =	sbarrier.arrive $0xFFFF  }
0x74: {  	p0 =	sne.s32 s31, $0x0;
	s0 =	rddreg [dreg:$0x2]  }
0x75: {  	s0 =	sadd.s32 @!p0 $0x100000, s0  }
0x76: {  	[sflag:s0] =	ssyncadd.tile.s32 @!p0 $0x1;
	_ =	shalt  }
.Lfunc_end1:
_tile_overlayer_lowered:
.L_overlay_start_2:
0x77: {  	(tag) =	ssettag $0x2  }
0x78: {  	s0 =	rddreg [dreg:$0x0];
	s2 =	stileid.u32  }
0x79: {  	s1 =	rddreg [dreg:$0x1];
	p0 =	sne.s32 s2, $0x0  }
0x7a: {  	s3 =	rddreg [dreg:$0x2];
	[bflag:$0x3] =	sbarrier.arrive $0xFFFF;
	s2 =	simm.s32 @!p0 $0x1C01  }
0x7b: {  	[timem:s3], [sflag:s2] =	dma.local @!p0 [hbm:s0], s1  }
0x7c: {  	s0 =	simm.s32 @!p0 $0x1  }
0x7d: {  	_ =	swait.ge @!p0 [sflag:s0], s1  }
0x7e: {  	s1 =	ssub.s32 @!p0 $0x0, s1;
	[sflag:s0] =	ssyncset.done @!p0 $0x0  }
0x7f: {  	[sflag:s0] =	ssyncadd.s32 @!p0 s1  }
0x80: {  	[bflag:$0x3] =	sbarrier.arrive $0xFFFF  }
0x81: {  	_ =	shalt  }

</sc_bundles>
